<compile_context>
chip_gen: v7x
topology: tpu7x:2x2x1
jax: 0.10.2.dev20260603
libtpu: 0.0.44.dev20260713+nightly
codegen_flags: <defaults>
</compile_context>

<pallas_src>
import jax
import jax.numpy as jnp
from jax import lax
from jax.experimental import pallas as pl
from jax.experimental.pallas import tpu as pltpu
from jax.experimental.pallas import tpu_sc as plsc

_EMB = 64
_BATCH = 4096
_SEQ = 200
_NC, _NS = 2, 16
_NW = _NC * _NS
_ROWS = _BATCH * _SEQ
_RPW = _ROWS // _NW
_CHUNK = 200
_NCHUNK = _RPW // _CHUNK
_LANES = _EMB // 16
_NBUF = 4
_LOOK = 2


def _pos_encoding():
    pos = jnp.arange(_SEQ, dtype=jnp.float32)[:, None]
    i = jnp.arange(_EMB // 2, dtype=jnp.float32)
    div = 10000.0 ** (2.0 * i / _EMB)
    enc = jnp.zeros((_SEQ, _EMB), dtype=jnp.float32)
    enc = enc.at[:, 0::2].set(jnp.sin(pos / div[None, :]))
    enc = enc.at[:, 1::2].set(jnp.cos(pos / div[None, :]))
    return enc


def _sc_body(idx_hbm, table_hbm, enc_hbm, out_hbm, idx_v, rows_v, enc_v,
             *sems):
    gsems = sems[:_NBUF]
    osems = sems[_NBUF:]
    wid = lax.axis_index("s") * _NC + lax.axis_index("c")
    base = wid * _RPW
    pltpu.sync_copy(enc_hbm, enc_v)
    pltpu.sync_copy(idx_hbm.at[pl.ds(base, _RPW)], idx_v)

    def gather_start(c, b):
        off = 0
        while off < _CHUNK:
            n = min(128, _CHUNK - off)
            pltpu.async_copy(
                table_hbm.at[idx_v.at[pl.ds(c * _CHUNK + off, n)]],
                rows_v.at[b, pl.ds(off, n)], gsems[b])
            off += n

    def gather_wait(b):
        pltpu.make_async_copy(
            out_hbm.at[pl.ds(0, _CHUNK), pl.ds(0, _EMB)],
            rows_v.at[b], gsems[b]).wait()

    def out_start(c, b):
        pltpu.async_copy(
            rows_v.at[b],
            out_hbm.at[pl.ds(base + c * _CHUNK, _CHUNK), pl.ds(0, _EMB)],
            osems[b])

    def out_wait(b):
        pltpu.make_async_copy(
            rows_v.at[b],
            out_hbm.at[pl.ds(base, _CHUNK), pl.ds(0, _EMB)],
            osems[b]).wait()

    for c in range(_LOOK):
        gather_start(c, c)

    def outer(c8, carry):
        for b in range(_NBUF):
            c = c8 + b
            nc = c + _LOOK

            @pl.when(nc < _NCHUNK)
            def _():
                bn = (b + _LOOK) % _NBUF

                @pl.when(c >= _NBUF - _LOOK)
                def _():
                    out_wait(bn)
                gather_start(nc, bn)

            gather_wait(b)
            s0 = lax.rem(c * _CHUNK, _SEQ)

            def add_body(r, acc):
                s = s0 + r
                s = lax.select(s >= _SEQ, s - _SEQ, s)
                s = lax.select(s >= _SEQ, s - _SEQ, s)
                for j in range(_LANES):
                    sl = pl.ds(j * 16, 16)
                    plsc.addupdate(rows_v.at[b, r, sl], enc_v[s, sl])
                return acc

            lax.fori_loop(0, _CHUNK, add_body, 0, unroll=4)
            out_start(c, b)
        return carry

    lax.fori_loop(0, _NCHUNK // _NBUF, lambda i, car: outer(i * _NBUF, car),
                  0)
    for b in range(_NBUF):
        out_wait(b)


def kernel(x, table):
    idx = x.reshape(_ROWS)
    enc = _pos_encoding()
    mesh = plsc.VectorSubcoreMesh(
        core_axis_name="c", subcore_axis_name="s",
        num_cores=_NC, num_subcores=_NS)
    out = pl.kernel(
        _sc_body,
        out_type=jax.ShapeDtypeStruct((_ROWS, 128), jnp.float32),
        mesh=mesh,
        scratch_types=[
            pltpu.VMEM((_RPW,), jnp.int32),
            pltpu.VMEM((_NBUF, _CHUNK, _EMB), jnp.float32),
            pltpu.VMEM((_SEQ, _EMB), jnp.float32),
        ] + [pltpu.SemaphoreType.DMA] * (2 * _NBUF),
        compiler_params=pltpu.CompilerParams(use_tc_tiling_on_sc=False),
    )(idx, table, enc)
    return out[:, :_EMB].reshape(_BATCH, _SEQ, _EMB)

# --- scband reference (transcript-rebuilt; emitter-appended) ---
"""Pipeline reference for scband-embedding-45930380264336 (READ-ONLY COPY).

The authoritative reference and input builder live on the scoring server;
editing this copy changes nothing except your own understanding.
"""

import jax, jax.numpy as jnp
import numpy as np

VOCAB = 1000000
MAX_LEN = 200
EMB = 64
BATCH = 4096
SEQ = 200


def compute_encoding(max_len, d):
    pos = jnp.arange(max_len, dtype=jnp.float32)[:, None]
    i = jnp.arange(d // 2, dtype=jnp.float32)
    div = 10000.0 ** (2.0 * i / d)
    enc = jnp.zeros((max_len, d), dtype=jnp.float32)
    enc = enc.at[:, 0::2].set(jnp.sin(pos / div[None, :]))
    enc = enc.at[:, 1::2].set(jnp.cos(pos / div[None, :]))
    return enc


def setup_inputs(seed: int = 0) -> dict:
    key = jax.random.key(seed)
    k1, k2 = jax.random.split(key)
    x = jax.random.randint(k1, (BATCH, SEQ), 0, VOCAB, dtype=jnp.int32)
    # learned embedding table, init like nn.Embedding (N(0,1))
    table = jax.random.normal(k2, (VOCAB, EMB), dtype=jnp.float32)
    return {"x": x, "table": table}


def reference(x, table):
    # dropout is identity in eval mode
    num_tokens = x.shape[1]
    emb = jnp.take(table, x, axis=0)  # [B, S, EMB] gather
    enc = compute_encoding(MAX_LEN, EMB)[:num_tokens]  # [S, EMB]
    out = emb + enc[None, :, :]
    return out

if __name__ == "__main__":
    import jax
    _d = setup_inputs()
    print(jax.jit(kernel)(*tuple(_d.values())))

</pallas_src>

<mosaic_0001>
#map = affine_map<(d0, d1) -> (0)>
#map1 = affine_map<(d0, d1) -> (0, 0)>
module attributes {stable_mosaic.version = 14 : i64} {
  func.func @_sc_body(%arg0: i32, %arg1: i32, %arg2: memref<819200xi32, #tpu.memory_space<hbm>>, %arg3: memref<1000000x64xf32, #tpu.memory_space<hbm>>, %arg4: memref<200x64xf32, #tpu.memory_space<hbm>>, %arg5: memref<819200x128xf32, #tpu.memory_space<hbm>>, %arg6: memref<25600xi32, #tpu.memory_space<vmem>>, %arg7: memref<4x200x64xf32, #tpu.memory_space<vmem>>, %arg8: memref<200x64xf32, #tpu.memory_space<vmem>>, %arg9: memref<!tpu.dma_semaphore, #tpu.memory_space<semaphore_mem>>, %arg10: memref<!tpu.dma_semaphore, #tpu.memory_space<semaphore_mem>>, %arg11: memref<!tpu.dma_semaphore, #tpu.memory_space<semaphore_mem>>, %arg12: memref<!tpu.dma_semaphore, #tpu.memory_space<semaphore_mem>>, %arg13: memref<!tpu.dma_semaphore, #tpu.memory_space<semaphore_mem>>, %arg14: memref<!tpu.dma_semaphore, #tpu.memory_space<semaphore_mem>>, %arg15: memref<!tpu.dma_semaphore, #tpu.memory_space<semaphore_mem>>, %arg16: memref<!tpu.dma_semaphore, #tpu.memory_space<semaphore_mem>>) attributes {dimension_semantics = [#tpu.dimension_semantics<core_parallel>, #tpu.dimension_semantics<subcore_parallel>], iteration_bounds = array<i64: 2, 16>, scalar_prefetch = 0 : i64, scratch_operands = 11 : i64, tpu.core_type = #tpu.core_type<sc_vector_subcore>, window_params = [{transform_indices = #map}, {transform_indices = #map1}, {transform_indices = #map1}, {transform_indices = #map1}]} {
    %mul3A = arith.constant 2 : i32
    %mul3A_0 = arith.muli %arg1, %mul3A : i32
    %add3A = arith.addi %mul3A_0, %arg0 : i32
    %mul3A_1 = arith.constant 25600 : i32
    %mul3A_2 = arith.muli %add3A, %mul3A_1 : i32
    "tpu.region"() ({
      %run_scoped3A = tpu.sem_alloc : memref<!tpu.dma_semaphore, #tpu.memory_space<semaphore_mem>>
      tpu.enqueue_dma source(%arg4 : memref<200x64xf32, #tpu.memory_space<hbm>>) target(%arg8 : memref<200x64xf32, #tpu.memory_space<vmem>>) target_semaphore(%run_scoped3A : memref<!tpu.dma_semaphore, #tpu.memory_space<semaphore_mem>>)
      tpu.wait_dma2 semaphore(%run_scoped3A : memref<!tpu.dma_semaphore, #tpu.memory_space<semaphore_mem>>) src(%arg4 : memref<200x64xf32, #tpu.memory_space<hbm>>) dst(%arg8 : memref<200x64xf32, #tpu.memory_space<vmem>>)
      tpu.yield
    }) : () -> ()
    "tpu.region"() ({
      %run_scoped3A = tpu.sem_alloc : memref<!tpu.dma_semaphore, #tpu.memory_space<semaphore_mem>>
      %dma_start3A_98 = tpu.memref_slice %arg2[%mul3A_2] : memref<819200xi32, #tpu.memory_space<hbm>> -> memref<25600xi32, #tpu.memory_space<hbm>>
      %dma_start3A_99 = tpu.memref_slice %arg2[%mul3A_2] : memref<819200xi32, #tpu.memory_space<hbm>> -> memref<25600xi32, #tpu.memory_space<hbm>>
      tpu.enqueue_dma source(%dma_start3A_99 : memref<25600xi32, #tpu.memory_space<hbm>>) target(%arg6 : memref<25600xi32, #tpu.memory_space<vmem>>) target_semaphore(%run_scoped3A : memref<!tpu.dma_semaphore, #tpu.memory_space<semaphore_mem>>)
      %dma_wait3A_100 = tpu.memref_slice %arg2[%mul3A_2] : memref<819200xi32, #tpu.memory_space<hbm>> -> memref<25600xi32, #tpu.memory_space<hbm>>
      %dma_wait3A_101 = tpu.memref_slice %arg2[%mul3A_2] : memref<819200xi32, #tpu.memory_space<hbm>> -> memref<25600xi32, #tpu.memory_space<hbm>>
      tpu.wait_dma2 semaphore(%run_scoped3A : memref<!tpu.dma_semaphore, #tpu.memory_space<semaphore_mem>>) src(%dma_wait3A_101 : memref<25600xi32, #tpu.memory_space<hbm>>) dst(%arg6 : memref<25600xi32, #tpu.memory_space<vmem>>)
      tpu.yield
    }) : () -> ()
    %dma_start3A = arith.constant 0 : i32
    %dma_start3A_3 = arith.constant 0 : i32
    %dma_start3A_4 = arith.constant 0 : i32
    %dma_start3A_5 = tpu.memref_slice %arg7[%dma_start3A, %dma_start3A_3, %dma_start3A_4] : memref<4x200x64xf32, #tpu.memory_space<vmem>> -> memref<1x128x64xf32, #tpu.memory_space<vmem>>
    %dma_start3A_6 = tpu.memref_squeeze %dma_start3A_5 : memref<1x128x64xf32, #tpu.memory_space<vmem>> -> memref<128x64xf32, #tpu.memory_space<vmem>>
    %dma_start3A_7 = arith.constant 0 : i32
    %dma_start3A_8 = tpu.memref_slice %arg6[%dma_start3A_7] : memref<25600xi32, #tpu.memory_space<vmem>> -> memref<128xi32, #tpu.memory_space<vmem>>
    %dma_start3A_9 = arith.constant 0 : i32
    %dma_start3A_10 = arith.constant 0 : i32
    %dma_start3A_11 = tpu.memref_slice %arg3[%dma_start3A_9, %dma_start3A_10] : memref<1000000x64xf32, #tpu.memory_space<hbm>> -> memref<1000000x64xf32, #tpu.memory_space<hbm>>
    tpu.enqueue_indirect_dma source(%dma_start3A_11 : memref<1000000x64xf32, #tpu.memory_space<hbm>>) target(%dma_start3A_6 : memref<128x64xf32, #tpu.memory_space<vmem>>) offsets(%dma_start3A_8 : memref<128xi32, #tpu.memory_space<vmem>>) semaphore(%arg9 : memref<!tpu.dma_semaphore, #tpu.memory_space<semaphore_mem>>)
    %dma_start3A_12 = arith.constant 0 : i32
    %dma_start3A_13 = arith.constant 128 : i32
    %dma_start3A_14 = arith.constant 0 : i32
    %dma_start3A_15 = tpu.memref_slice %arg7[%dma_start3A_12, %dma_start3A_13, %dma_start3A_14] : memref<4x200x64xf32, #tpu.memory_space<vmem>> -> memref<1x72x64xf32, #tpu.memory_space<vmem>>
    %dma_start3A_16 = tpu.memref_squeeze %dma_start3A_15 : memref<1x72x64xf32, #tpu.memory_space<vmem>> -> memref<72x64xf32, #tpu.memory_space<vmem>>
    %dma_start3A_17 = arith.constant 128 : i32
    %dma_start3A_18 = tpu.memref_slice %arg6[%dma_start3A_17] : memref<25600xi32, #tpu.memory_space<vmem>> -> memref<72xi32, #tpu.memory_space<vmem>>
    %dma_start3A_19 = arith.constant 0 : i32
    %dma_start3A_20 = arith.constant 0 : i32
    %dma_start3A_21 = tpu.memref_slice %arg3[%dma_start3A_19, %dma_start3A_20] : memref<1000000x64xf32, #tpu.memory_space<hbm>> -> memref<1000000x64xf32, #tpu.memory_space<hbm>>
    tpu.enqueue_indirect_dma source(%dma_start3A_21 : memref<1000000x64xf32, #tpu.memory_space<hbm>>) target(%dma_start3A_16 : memref<72x64xf32, #tpu.memory_space<vmem>>) offsets(%dma_start3A_18 : memref<72xi32, #tpu.memory_space<vmem>>) semaphore(%arg9 : memref<!tpu.dma_semaphore, #tpu.memory_space<semaphore_mem>>)
    %dma_start3A_22 = arith.constant 1 : i32
    %dma_start3A_23 = arith.constant 0 : i32
    %dma_start3A_24 = arith.constant 0 : i32
    %dma_start3A_25 = tpu.memref_slice %arg7[%dma_start3A_22, %dma_start3A_23, %dma_start3A_24] : memref<4x200x64xf32, #tpu.memory_space<vmem>> -> memref<1x128x64xf32, #tpu.memory_space<vmem>>
    %dma_start3A_26 = tpu.memref_squeeze %dma_start3A_25 : memref<1x128x64xf32, #tpu.memory_space<vmem>> -> memref<128x64xf32, #tpu.memory_space<vmem>>
    %dma_start3A_27 = arith.constant 200 : i32
    %dma_start3A_28 = tpu.memref_slice %arg6[%dma_start3A_27] : memref<25600xi32, #tpu.memory_space<vmem>> -> memref<128xi32, #tpu.memory_space<vmem>>
    %dma_start3A_29 = arith.constant 0 : i32
    %dma_start3A_30 = arith.constant 0 : i32
    %dma_start3A_31 = tpu.memref_slice %arg3[%dma_start3A_29, %dma_start3A_30] : memref<1000000x64xf32, #tpu.memory_space<hbm>> -> memref<1000000x64xf32, #tpu.memory_space<hbm>>
    tpu.enqueue_indirect_dma source(%dma_start3A_31 : memref<1000000x64xf32, #tpu.memory_space<hbm>>) target(%dma_start3A_26 : memref<128x64xf32, #tpu.memory_space<vmem>>) offsets(%dma_start3A_28 : memref<128xi32, #tpu.memory_space<vmem>>) semaphore(%arg10 : memref<!tpu.dma_semaphore, #tpu.memory_space<semaphore_mem>>)
    %dma_start3A_32 = arith.constant 1 : i32
    %dma_start3A_33 = arith.constant 128 : i32
    %dma_start3A_34 = arith.constant 0 : i32
    %dma_start3A_35 = tpu.memref_slice %arg7[%dma_start3A_32, %dma_start3A_33, %dma_start3A_34] : memref<4x200x64xf32, #tpu.memory_space<vmem>> -> memref<1x72x64xf32, #tpu.memory_space<vmem>>
    %dma_start3A_36 = tpu.memref_squeeze %dma_start3A_35 : memref<1x72x64xf32, #tpu.memory_space<vmem>> -> memref<72x64xf32, #tpu.memory_space<vmem>>
    %dma_start3A_37 = arith.constant 328 : i32
    %dma_start3A_38 = tpu.memref_slice %arg6[%dma_start3A_37] : memref<25600xi32, #tpu.memory_space<vmem>> -> memref<72xi32, #tpu.memory_space<vmem>>
    %dma_start3A_39 = arith.constant 0 : i32
    %dma_start3A_40 = arith.constant 0 : i32
    %dma_start3A_41 = tpu.memref_slice %arg3[%dma_start3A_39, %dma_start3A_40] : memref<1000000x64xf32, #tpu.memory_space<hbm>> -> memref<1000000x64xf32, #tpu.memory_space<hbm>>
    tpu.enqueue_indirect_dma source(%dma_start3A_41 : memref<1000000x64xf32, #tpu.memory_space<hbm>>) target(%dma_start3A_36 : memref<72x64xf32, #tpu.memory_space<vmem>>) offsets(%dma_start3A_38 : memref<72xi32, #tpu.memory_space<vmem>>) semaphore(%arg10 : memref<!tpu.dma_semaphore, #tpu.memory_space<semaphore_mem>>)
    %scan3A = arith.constant 0 : i32
    %scan3A_42 = arith.constant 0 : i32
    %scan3A_43 = arith.constant 32 : i32
    %scan3A_44 = arith.addi %scan3A_42, %scan3A_43 : i32
    %scan3A_45 = arith.constant 1 : i32
    scf.for %scan3A_98 = %scan3A_42 to %scan3A_44 step %scan3A_45  : i32 {
      %mul3A_99 = arith.constant 4 : i32
      %mul3A_100 = arith.muli %scan3A_98, %mul3A_99 : i32
      %add3A_101 = arith.constant 0 : i32
      %add3A_102 = arith.addi %mul3A_100, %add3A_101 : i32
      %add3A_103 = arith.constant 2 : i32
      %add3A_104 = arith.addi %add3A_102, %add3A_103 : i32
      %lt3A = arith.constant 128 : i32
      %lt3A_105 = arith.cmpi slt, %add3A_104, %lt3A : i32
      %convert_element_type3A = arith.extui %lt3A_105 : i1 to i32
      %cond3A = arith.constant 0 : i32
      %cond3A_106 = arith.cmpi ne, %convert_element_type3A, %cond3A : i32
      scf.if %cond3A_106 {
        %ge3A = arith.constant 2 : i32
        %ge3A_297 = arith.cmpi sge, %add3A_102, %ge3A : i32
        %convert_element_type3A_298 = arith.extui %ge3A_297 : i1 to i32
        %cond3A_299 = arith.constant 0 : i32
        %cond3A_300 = arith.cmpi ne, %convert_element_type3A_298, %cond3A_299 : i32
        scf.if %cond3A_300 {
          %dma_wait3A_327 = arith.constant 2 : i32
          %dma_wait3A_328 = arith.constant 0 : i32
          %dma_wait3A_329 = arith.constant 0 : i32
          %dma_wait3A_330 = tpu.memref_slice %arg7[%dma_wait3A_327, %dma_wait3A_328, %dma_wait3A_329] : memref<4x200x64xf32, #tpu.memory_space<vmem>> -> memref<1x200x64xf32, #tpu.memory_space<vmem>>
          %dma_wait3A_331 = tpu.memref_squeeze %dma_wait3A_330 : memref<1x200x64xf32, #tpu.memory_space<vmem>> -> memref<200x64xf32, #tpu.memory_space<vmem>>
          %dma_wait3A_332 = arith.constant 0 : i32
          %dma_wait3A_333 = tpu.memref_slice %arg5[%mul3A_2, %dma_wait3A_332] : memref<819200x128xf32, #tpu.memory_space<hbm>> -> memref<200x64xf32, #tpu.memory_space<hbm>>
          %dma_wait3A_334 = arith.constant 0 : i32
          %dma_wait3A_335 = tpu.memref_slice %arg5[%mul3A_2, %dma_wait3A_334] : memref<819200x128xf32, #tpu.memory_space<hbm>> -> memref<200x64xf32, #tpu.memory_space<hbm>>
          %dma_wait3A_336 = arith.constant 0 : i32
          %dma_wait3A_337 = arith.constant 0 : i32
          %dma_wait3A_338 = tpu.memref_slice %arg7[%dma_wait3A_327, %dma_wait3A_336, %dma_wait3A_337] : memref<4x200x64xf32, #tpu.memory_space<vmem>> -> memref<1x200x64xf32, #tpu.memory_space<vmem>>
          %dma_wait3A_339 = tpu.memref_squeeze %dma_wait3A_338 : memref<1x200x64xf32, #tpu.memory_space<vmem>> -> memref<200x64xf32, #tpu.memory_space<vmem>>
          tpu.wait_dma2 semaphore(%arg15 : memref<!tpu.dma_semaphore, #tpu.memory_space<semaphore_mem>>) src(%dma_wait3A_339 : memref<200x64xf32, #tpu.memory_space<vmem>>) dst(%dma_wait3A_335 : memref<200x64xf32, #tpu.memory_space<hbm>>)
        } else {
        }
        %mul3A_301 = arith.constant 200 : i32
        %mul3A_302 = arith.muli %add3A_104, %mul3A_301 : i32
        %add3A_303 = arith.constant 0 : i32
        %add3A_304 = arith.addi %mul3A_302, %add3A_303 : i32
        %dma_start3A_305 = arith.constant 2 : i32
        %dma_start3A_306 = arith.constant 0 : i32
        %dma_start3A_307 = arith.constant 0 : i32
        %dma_start3A_308 = tpu.memref_slice %arg7[%dma_start3A_305, %dma_start3A_306, %dma_start3A_307] : memref<4x200x64xf32, #tpu.memory_space<vmem>> -> memref<1x128x64xf32, #tpu.memory_space<vmem>>
        %dma_start3A_309 = tpu.memref_squeeze %dma_start3A_308 : memref<1x128x64xf32, #tpu.memory_space<vmem>> -> memref<128x64xf32, #tpu.memory_space<vmem>>
        %dma_start3A_310 = tpu.memref_slice %arg6[%add3A_304] : memref<25600xi32, #tpu.memory_space<vmem>> -> memref<128xi32, #tpu.memory_space<vmem>>
        %dma_start3A_311 = arith.constant 0 : i32
        %dma_start3A_312 = arith.constant 0 : i32
        %dma_start3A_313 = tpu.memref_slice %arg3[%dma_start3A_311, %dma_start3A_312] : memref<1000000x64xf32, #tpu.memory_space<hbm>> -> memref<1000000x64xf32, #tpu.memory_space<hbm>>
        tpu.enqueue_indirect_dma source(%dma_start3A_313 : memref<1000000x64xf32, #tpu.memory_space<hbm>>) target(%dma_start3A_309 : memref<128x64xf32, #tpu.memory_space<vmem>>) offsets(%dma_start3A_310 : memref<128xi32, #tpu.memory_space<vmem>>) semaphore(%arg11 : memref<!tpu.dma_semaphore, #tpu.memory_space<semaphore_mem>>)
        %mul3A_314 = arith.constant 200 : i32
        %mul3A_315 = arith.muli %add3A_104, %mul3A_314 : i32
        %add3A_316 = arith.constant 128 : i32
        %add3A_317 = arith.addi %mul3A_315, %add3A_316 : i32
        %dma_start3A_318 = arith.constant 2 : i32
        %dma_start3A_319 = arith.constant 128 : i32
        %dma_start3A_320 = arith.constant 0 : i32
        %dma_start3A_321 = tpu.memref_slice %arg7[%dma_start3A_318, %dma_start3A_319, %dma_start3A_320] : memref<4x200x64xf32, #tpu.memory_space<vmem>> -> memref<1x72x64xf32, #tpu.memory_space<vmem>>
        %dma_start3A_322 = tpu.memref_squeeze %dma_start3A_321 : memref<1x72x64xf32, #tpu.memory_space<vmem>> -> memref<72x64xf32, #tpu.memory_space<vmem>>
        %dma_start3A_323 = tpu.memref_slice %arg6[%add3A_317] : memref<25600xi32, #tpu.memory_space<vmem>> -> memref<72xi32, #tpu.memory_space<vmem>>
        %dma_start3A_324 = arith.constant 0 : i32
        %dma_start3A_325 = arith.constant 0 : i32
        %dma_start3A_326 = tpu.memref_slice %arg3[%dma_start3A_324, %dma_start3A_325] : memref<1000000x64xf32, #tpu.memory_space<hbm>> -> memref<1000000x64xf32, #tpu.memory_space<hbm>>
        tpu.enqueue_indirect_dma source(%dma_start3A_326 : memref<1000000x64xf32, #tpu.memory_space<hbm>>) target(%dma_start3A_322 : memref<72x64xf32, #tpu.memory_space<vmem>>) offsets(%dma_start3A_323 : memref<72xi32, #tpu.memory_space<vmem>>) semaphore(%arg11 : memref<!tpu.dma_semaphore, #tpu.memory_space<semaphore_mem>>)
      } else {
      }
      %dma_wait3A_107 = arith.constant 0 : i32
      %dma_wait3A_108 = arith.constant 0 : i32
      %dma_wait3A_109 = arith.constant 0 : i32
      %dma_wait3A_110 = tpu.memref_slice %arg7[%dma_wait3A_107, %dma_wait3A_108, %dma_wait3A_109] : memref<4x200x64xf32, #tpu.memory_space<vmem>> -> memref<1x200x64xf32, #tpu.memory_space<vmem>>
      %dma_wait3A_111 = tpu.memref_squeeze %dma_wait3A_110 : memref<1x200x64xf32, #tpu.memory_space<vmem>> -> memref<200x64xf32, #tpu.memory_space<vmem>>
      %dma_wait3A_112 = arith.constant 0 : i32
      %dma_wait3A_113 = arith.constant 0 : i32
      %dma_wait3A_114 = tpu.memref_slice %arg5[%dma_wait3A_112, %dma_wait3A_113] : memref<819200x128xf32, #tpu.memory_space<hbm>> -> memref<200x64xf32, #tpu.memory_space<hbm>>
      %dma_wait3A_115 = arith.constant 0 : i32
      %dma_wait3A_116 = arith.constant 0 : i32
      %dma_wait3A_117 = tpu.memref_slice %arg7[%dma_wait3A_107, %dma_wait3A_115, %dma_wait3A_116] : memref<4x200x64xf32, #tpu.memory_space<vmem>> -> memref<1x200x64xf32, #tpu.memory_space<vmem>>
      %dma_wait3A_118 = tpu.memref_squeeze %dma_wait3A_117 : memref<1x200x64xf32, #tpu.memory_space<vmem>> -> memref<200x64xf32, #tpu.memory_space<vmem>>
      %dma_wait3A_119 = arith.constant 0 : i32
      %dma_wait3A_120 = arith.constant 0 : i32
      %dma_wait3A_121 = tpu.memref_slice %arg5[%dma_wait3A_119, %dma_wait3A_120] : memref<819200x128xf32, #tpu.memory_space<hbm>> -> memref<200x64xf32, #tpu.memory_space<hbm>>
      tpu.wait_dma2 semaphore(%arg9 : memref<!tpu.dma_semaphore, #tpu.memory_space<semaphore_mem>>) src(%dma_wait3A_121 : memref<200x64xf32, #tpu.memory_space<hbm>>) dst(%dma_wait3A_118 : memref<200x64xf32, #tpu.memory_space<vmem>>)
      %mul3A_122 = arith.constant 200 : i32
      %mul3A_123 = arith.muli %add3A_102, %mul3A_122 : i32
      %rem3A = arith.constant 200 : i32
      %rem3A_124 = arith.remsi %mul3A_123, %rem3A : i32
      %scan3A_125 = arith.constant 0 : i32
      %scan3A_126 = arith.constant 0 : i32
      %scan3A_127 = arith.constant 200 : i32
      %scan3A_128 = arith.addi %scan3A_126, %scan3A_127 : i32
      %scan3A_129 = arith.constant 4 : i32
      scf.for %scan3A_297 = %scan3A_126 to %scan3A_128 step %scan3A_129  : i32 {
        %add3A_298 = arith.addi %rem3A_124, %scan3A_297 : i32
        %ge3A = arith.constant 200 : i32
        %ge3A_299 = arith.cmpi sge, %add3A_298, %ge3A : i32
        %sub3A = arith.constant 200 : i32
        %sub3A_300 = arith.subi %add3A_298, %sub3A : i32
        %select_n3A = arith.select %ge3A_299, %sub3A_300, %add3A_298 : i32
        %ge3A_301 = arith.constant 200 : i32
        %ge3A_302 = arith.cmpi sge, %select_n3A, %ge3A_301 : i32
        %sub3A_303 = arith.constant 200 : i32
        %sub3A_304 = arith.subi %select_n3A, %sub3A_303 : i32
        %select_n3A_305 = arith.select %ge3A_302, %sub3A_304, %select_n3A : i32
        %get3A = arith.index_cast %select_n3A_305 : i32 to index
        %get3A_306 = arith.constant 0 : index
        %get3A_307 = tpu.vector_load %arg8[%get3A, %get3A_306] {strides = array<i32>} : memref<200x64xf32, #tpu.memory_space<vmem>>, vector<1x16xf32>,
        %get3A_308 = vector.shape_cast %get3A_307 : vector<1x16xf32> to vector<16xf32>
        %swap3A = arith.constant 0 : i32
        %swap3A_309 = arith.index_cast %swap3A : i32 to index
        %swap3A_310 = arith.index_cast %scan3A_297 : i32 to index
        %swap3A_311 = arith.constant 0 : index
        %swap3A_312 = tpu.vector_load %arg7[%swap3A_309, %swap3A_310, %swap3A_311] {strides = array<i32>} : memref<4x200x64xf32, #tpu.memory_space<vmem>>, vector<1x1x16xf32>,
        %swap3A_313 = vector.shape_cast %swap3A_312 : vector<1x1x16xf32> to vector<16xf32>
        %swap3A_314 = vector.shape_cast %get3A_308 : vector<16xf32> to vector<1x1x16xf32>
        tpu.vector_store %arg7[%swap3A_309, %swap3A_310, %swap3A_311], %swap3A_314 {add = true, strides = array<i32>} : memref<4x200x64xf32, #tpu.memory_space<vmem>>, vector<1x1x16xf32>,
        %get3A_315 = arith.index_cast %select_n3A_305 : i32 to index
        %get3A_316 = arith.constant 16 : index
        %get3A_317 = tpu.vector_load %arg8[%get3A_315, %get3A_316] {strides = array<i32>} : memref<200x64xf32, #tpu.memory_space<vmem>>, vector<1x16xf32>,
        %get3A_318 = vector.shape_cast %get3A_317 : vector<1x16xf32> to vector<16xf32>
        %swap3A_319 = arith.constant 0 : i32
        %swap3A_320 = arith.index_cast %swap3A_319 : i32 to index
        %swap3A_321 = arith.index_cast %scan3A_297 : i32 to index
        %swap3A_322 = arith.constant 16 : index
        %swap3A_323 = tpu.vector_load %arg7[%swap3A_320, %swap3A_321, %swap3A_322] {strides = array<i32>} : memref<4x200x64xf32, #tpu.memory_space<vmem>>, vector<1x1x16xf32>,
        %swap3A_324 = vector.shape_cast %swap3A_323 : vector<1x1x16xf32> to vector<16xf32>
        %swap3A_325 = vector.shape_cast %get3A_318 : vector<16xf32> to vector<1x1x16xf32>
        tpu.vector_store %arg7[%swap3A_320, %swap3A_321, %swap3A_322], %swap3A_325 {add = true, strides = array<i32>} : memref<4x200x64xf32, #tpu.memory_space<vmem>>, vector<1x1x16xf32>,
        %get3A_326 = arith.index_cast %select_n3A_305 : i32 to index
        %get3A_327 = arith.constant 32 : index
        %get3A_328 = tpu.vector_load %arg8[%get3A_326, %get3A_327] {strides = array<i32>} : memref<200x64xf32, #tpu.memory_space<vmem>>, vector<1x16xf32>,
        %get3A_329 = vector.shape_cast %get3A_328 : vector<1x16xf32> to vector<16xf32>
        %swap3A_330 = arith.constant 0 : i32
        %swap3A_331 = arith.index_cast %swap3A_330 : i32 to index
        %swap3A_332 = arith.index_cast %scan3A_297 : i32 to index
        %swap3A_333 = arith.constant 32 : index
        %swap3A_334 = tpu.vector_load %arg7[%swap3A_331, %swap3A_332, %swap3A_333] {strides = array<i32>} : memref<4x200x64xf32, #tpu.memory_space<vmem>>, vector<1x1x16xf32>,
        %swap3A_335 = vector.shape_cast %swap3A_334 : vector<1x1x16xf32> to vector<16xf32>
        %swap3A_336 = vector.shape_cast %get3A_329 : vector<16xf32> to vector<1x1x16xf32>
        tpu.vector_store %arg7[%swap3A_331, %swap3A_332, %swap3A_333], %swap3A_336 {add = true, strides = array<i32>} : memref<4x200x64xf32, #tpu.memory_space<vmem>>, vector<1x1x16xf32>,
        %get3A_337 = arith.index_cast %select_n3A_305 : i32 to index
        %get3A_338 = arith.constant 48 : index
        %get3A_339 = tpu.vector_load %arg8[%get3A_337, %get3A_338] {strides = array<i32>} : memref<200x64xf32, #tpu.memory_space<vmem>>, vector<1x16xf32>,
        %get3A_340 = vector.shape_cast %get3A_339 : vector<1x16xf32> to vector<16xf32>
        %swap3A_341 = arith.constant 0 : i32
        %swap3A_342 = arith.index_cast %swap3A_341 : i32 to index
        %swap3A_343 = arith.index_cast %scan3A_297 : i32 to index
        %swap3A_344 = arith.constant 48 : index
        %swap3A_345 = tpu.vector_load %arg7[%swap3A_342, %swap3A_343, %swap3A_344] {strides = array<i32>} : memref<4x200x64xf32, #tpu.memory_space<vmem>>, vector<1x1x16xf32>,
        %swap3A_346 = vector.shape_cast %swap3A_345 : vector<1x1x16xf32> to vector<16xf32>
        %swap3A_347 = vector.shape_cast %get3A_340 : vector<16xf32> to vector<1x1x16xf32>
        tpu.vector_store %arg7[%swap3A_342, %swap3A_343, %swap3A_344], %swap3A_347 {add = true, strides = array<i32>} : memref<4x200x64xf32, #tpu.memory_space<vmem>>, vector<1x1x16xf32>,
        %scan3A_348 = arith.constant 1 : i32
        %scan3A_349 = arith.addi %scan3A_297, %scan3A_348 : i32
        %add3A_350 = arith.addi %rem3A_124, %scan3A_349 : i32
        %ge3A_351 = arith.constant 200 : i32
        %ge3A_352 = arith.cmpi sge, %add3A_350, %ge3A_351 : i32
        %sub3A_353 = arith.constant 200 : i32
        %sub3A_354 = arith.subi %add3A_350, %sub3A_353 : i32
        %select_n3A_355 = arith.select %ge3A_352, %sub3A_354, %add3A_350 : i32
        %ge3A_356 = arith.constant 200 : i32
        %ge3A_357 = arith.cmpi sge, %select_n3A_355, %ge3A_356 : i32
        %sub3A_358 = arith.constant 200 : i32
        %sub3A_359 = arith.subi %select_n3A_355, %sub3A_358 : i32
        %select_n3A_360 = arith.select %ge3A_357, %sub3A_359, %select_n3A_355 : i32
        %get3A_361 = arith.index_cast %select_n3A_360 : i32 to index
        %get3A_362 = arith.constant 0 : index
        %get3A_363 = tpu.vector_load %arg8[%get3A_361, %get3A_362] {strides = array<i32>} : memref<200x64xf32, #tpu.memory_space<vmem>>, vector<1x16xf32>,
        %get3A_364 = vector.shape_cast %get3A_363 : vector<1x16xf32> to vector<16xf32>
        %swap3A_365 = arith.constant 0 : i32
        %swap3A_366 = arith.index_cast %swap3A_365 : i32 to index
        %swap3A_367 = arith.index_cast %scan3A_349 : i32 to index
        %swap3A_368 = arith.constant 0 : index
        %swap3A_369 = tpu.vector_load %arg7[%swap3A_366, %swap3A_367, %swap3A_368] {strides = array<i32>} : memref<4x200x64xf32, #tpu.memory_space<vmem>>, vector<1x1x16xf32>,
        %swap3A_370 = vector.shape_cast %swap3A_369 : vector<1x1x16xf32> to vector<16xf32>
        %swap3A_371 = vector.shape_cast %get3A_364 : vector<16xf32> to vector<1x1x16xf32>
        tpu.vector_store %arg7[%swap3A_366, %swap3A_367, %swap3A_368], %swap3A_371 {add = true, strides = array<i32>} : memref<4x200x64xf32, #tpu.memory_space<vmem>>, vector<1x1x16xf32>,
        %get3A_372 = arith.index_cast %select_n3A_360 : i32 to index
        %get3A_373 = arith.constant 16 : index
        %get3A_374 = tpu.vector_load %arg8[%get3A_372, %get3A_373] {strides = array<i32>} : memref<200x64xf32, #tpu.memory_space<vmem>>, vector<1x16xf32>,
        %get3A_375 = vector.shape_cast %get3A_374 : vector<1x16xf32> to vector<16xf32>
        %swap3A_376 = arith.constant 0 : i32
        %swap3A_377 = arith.index_cast %swap3A_376 : i32 to index
        %swap3A_378 = arith.index_cast %scan3A_349 : i32 to index
        %swap3A_379 = arith.constant 16 : index
        %swap3A_380 = tpu.vector_load %arg7[%swap3A_377, %swap3A_378, %swap3A_379] {strides = array<i32>} : memref<4x200x64xf32, #tpu.memory_space<vmem>>, vector<1x1x16xf32>,
        %swap3A_381 = vector.shape_cast %swap3A_380 : vector<1x1x16xf32> to vector<16xf32>
        %swap3A_382 = vector.shape_cast %get3A_375 : vector<16xf32> to vector<1x1x16xf32>
        tpu.vector_store %arg7[%swap3A_377, %swap3A_378, %swap3A_379], %swap3A_382 {add = true, strides = array<i32>} : memref<4x200x64xf32, #tpu.memory_space<vmem>>, vector<1x1x16xf32>,
        %get3A_383 = arith.index_cast %select_n3A_360 : i32 to index
        %get3A_384 = arith.constant 32 : index
        %get3A_385 = tpu.vector_load %arg8[%get3A_383, %get3A_384] {strides = array<i32>} : memref<200x64xf32, #tpu.memory_space<vmem>>, vector<1x16xf32>,
        %get3A_386 = vector.shape_cast %get3A_385 : vector<1x16xf32> to vector<16xf32>
        %swap3A_387 = arith.constant 0 : i32
        %swap3A_388 = arith.index_cast %swap3A_387 : i32 to index
        %swap3A_389 = arith.index_cast %scan3A_349 : i32 to index
        %swap3A_390 = arith.constant 32 : index
        %swap3A_391 = tpu.vector_load %arg7[%swap3A_388, %swap3A_389, %swap3A_390] {strides = array<i32>} : memref<4x200x64xf32, #tpu.memory_space<vmem>>, vector<1x1x16xf32>,
        %swap3A_392 = vector.shape_cast %swap3A_391 : vector<1x1x16xf32> to vector<16xf32>
        %swap3A_393 = vector.shape_cast %get3A_386 : vector<16xf32> to vector<1x1x16xf32>
        tpu.vector_store %arg7[%swap3A_388, %swap3A_389, %swap3A_390], %swap3A_393 {add = true, strides = array<i32>} : memref<4x200x64xf32, #tpu.memory_space<vmem>>, vector<1x1x16xf32>,
        %get3A_394 = arith.index_cast %select_n3A_360 : i32 to index
        %get3A_395 = arith.constant 48 : index
        %get3A_396 = tpu.vector_load %arg8[%get3A_394, %get3A_395] {strides = array<i32>} : memref<200x64xf32, #tpu.memory_space<vmem>>, vector<1x16xf32>,
        %get3A_397 = vector.shape_cast %get3A_396 : vector<1x16xf32> to vector<16xf32>
        %swap3A_398 = arith.constant 0 : i32
        %swap3A_399 = arith.index_cast %swap3A_398 : i32 to index
        %swap3A_400 = arith.index_cast %scan3A_349 : i32 to index
        %swap3A_401 = arith.constant 48 : index
        %swap3A_402 = tpu.vector_load %arg7[%swap3A_399, %swap3A_400, %swap3A_401] {strides = array<i32>} : memref<4x200x64xf32, #tpu.memory_space<vmem>>, vector<1x1x16xf32>,
        %swap3A_403 = vector.shape_cast %swap3A_402 : vector<1x1x16xf32> to vector<16xf32>
        %swap3A_404 = vector.shape_cast %get3A_397 : vector<16xf32> to vector<1x1x16xf32>
        tpu.vector_store %arg7[%swap3A_399, %swap3A_400, %swap3A_401], %swap3A_404 {add = true, strides = array<i32>} : memref<4x200x64xf32, #tpu.memory_space<vmem>>, vector<1x1x16xf32>,
        %scan3A_405 = arith.constant 2 : i32
        %scan3A_406 = arith.addi %scan3A_297, %scan3A_405 : i32
        %add3A_407 = arith.addi %rem3A_124, %scan3A_406 : i32
        %ge3A_408 = arith.constant 200 : i32
        %ge3A_409 = arith.cmpi sge, %add3A_407, %ge3A_408 : i32
        %sub3A_410 = arith.constant 200 : i32
        %sub3A_411 = arith.subi %add3A_407, %sub3A_410 : i32
        %select_n3A_412 = arith.select %ge3A_409, %sub3A_411, %add3A_407 : i32
        %ge3A_413 = arith.constant 200 : i32
        %ge3A_414 = arith.cmpi sge, %select_n3A_412, %ge3A_413 : i32
        %sub3A_415 = arith.constant 200 : i32
        %sub3A_416 = arith.subi %select_n3A_412, %sub3A_415 : i32
        %select_n3A_417 = arith.select %ge3A_414, %sub3A_416, %select_n3A_412 : i32
        %get3A_418 = arith.index_cast %select_n3A_417 : i32 to index
        %get3A_419 = arith.constant 0 : index
        %get3A_420 = tpu.vector_load %arg8[%get3A_418, %get3A_419] {strides = array<i32>} : memref<200x64xf32, #tpu.memory_space<vmem>>, vector<1x16xf32>,
        %get3A_421 = vector.shape_cast %get3A_420 : vector<1x16xf32> to vector<16xf32>
        %swap3A_422 = arith.constant 0 : i32
        %swap3A_423 = arith.index_cast %swap3A_422 : i32 to index
        %swap3A_424 = arith.index_cast %scan3A_406 : i32 to index
        %swap3A_425 = arith.constant 0 : index
        %swap3A_426 = tpu.vector_load %arg7[%swap3A_423, %swap3A_424, %swap3A_425] {strides = array<i32>} : memref<4x200x64xf32, #tpu.memory_space<vmem>>, vector<1x1x16xf32>,
        %swap3A_427 = vector.shape_cast %swap3A_426 : vector<1x1x16xf32> to vector<16xf32>
        %swap3A_428 = vector.shape_cast %get3A_421 : vector<16xf32> to vector<1x1x16xf32>
        tpu.vector_store %arg7[%swap3A_423, %swap3A_424, %swap3A_425], %swap3A_428 {add = true, strides = array<i32>} : memref<4x200x64xf32, #tpu.memory_space<vmem>>, vector<1x1x16xf32>,
        %get3A_429 = arith.index_cast %select_n3A_417 : i32 to index
        %get3A_430 = arith.constant 16 : index
        %get3A_431 = tpu.vector_load %arg8[%get3A_429, %get3A_430] {strides = array<i32>} : memref<200x64xf32, #tpu.memory_space<vmem>>, vector<1x16xf32>,
        %get3A_432 = vector.shape_cast %get3A_431 : vector<1x16xf32> to vector<16xf32>
        %swap3A_433 = arith.constant 0 : i32
        %swap3A_434 = arith.index_cast %swap3A_433 : i32 to index
        %swap3A_435 = arith.index_cast %scan3A_406 : i32 to index
        %swap3A_436 = arith.constant 16 : index
        %swap3A_437 = tpu.vector_load %arg7[%swap3A_434, %swap3A_435, %swap3A_436] {strides = array<i32>} : memref<4x200x64xf32, #tpu.memory_space<vmem>>, vector<1x1x16xf32>,
        %swap3A_438 = vector.shape_cast %swap3A_437 : vector<1x1x16xf32> to vector<16xf32>
        %swap3A_439 = vector.shape_cast %get3A_432 : vector<16xf32> to vector<1x1x16xf32>
        tpu.vector_store %arg7[%swap3A_434, %swap3A_435, %swap3A_436], %swap3A_439 {add = true, strides = array<i32>} : memref<4x200x64xf32, #tpu.memory_space<vmem>>, vector<1x1x16xf32>,
        %get3A_440 = arith.index_cast %select_n3A_417 : i32 to index
        %get3A_441 = arith.constant 32 : index
        %get3A_442 = tpu.vector_load %arg8[%get3A_440, %get3A_441] {strides = array<i32>} : memref<200x64xf32, #tpu.memory_space<vmem>>, vector<1x16xf32>,
        %get3A_443 = vector.shape_cast %get3A_442 : vector<1x16xf32> to vector<16xf32>
        %swap3A_444 = arith.constant 0 : i32
        %swap3A_445 = arith.index_cast %swap3A_444 : i32 to index
        %swap3A_446 = arith.index_cast %scan3A_406 : i32 to index
        %swap3A_447 = arith.constant 32 : index
        %swap3A_448 = tpu.vector_load %arg7[%swap3A_445, %swap3A_446, %swap3A_447] {strides = array<i32>} : memref<4x200x64xf32, #tpu.memory_space<vmem>>, vector<1x1x16xf32>,
        %swap3A_449 = vector.shape_cast %swap3A_448 : vector<1x1x16xf32> to vector<16xf32>
        %swap3A_450 = vector.shape_cast %get3A_443 : vector<16xf32> to vector<1x1x16xf32>
        tpu.vector_store %arg7[%swap3A_445, %swap3A_446, %swap3A_447], %swap3A_450 {add = true, strides = array<i32>} : memref<4x200x64xf32, #tpu.memory_space<vmem>>, vector<1x1x16xf32>,
        %get3A_451 = arith.index_cast %select_n3A_417 : i32 to index
        %get3A_452 = arith.constant 48 : index
        %get3A_453 = tpu.vector_load %arg8[%get3A_451, %get3A_452] {strides = array<i32>} : memref<200x64xf32, #tpu.memory_space<vmem>>, vector<1x16xf32>,
        %get3A_454 = vector.shape_cast %get3A_453 : vector<1x16xf32> to vector<16xf32>
        %swap3A_455 = arith.constant 0 : i32
        %swap3A_456 = arith.index_cast %swap3A_455 : i32 to index
        %swap3A_457 = arith.index_cast %scan3A_406 : i32 to index
        %swap3A_458 = arith.constant 48 : index
        %swap3A_459 = tpu.vector_load %arg7[%swap3A_456, %swap3A_457, %swap3A_458] {strides = array<i32>} : memref<4x200x64xf32, #tpu.memory_space<vmem>>, vector<1x1x16xf32>,
        %swap3A_460 = vector.shape_cast %swap3A_459 : vector<1x1x16xf32> to vector<16xf32>
        %swap3A_461 = vector.shape_cast %get3A_454 : vector<16xf32> to vector<1x1x16xf32>
        tpu.vector_store %arg7[%swap3A_456, %swap3A_457, %swap3A_458], %swap3A_461 {add = true, strides = array<i32>} : memref<4x200x64xf32, #tpu.memory_space<vmem>>, vector<1x1x16xf32>,
        %scan3A_462 = arith.constant 3 : i32
        %scan3A_463 = arith.addi %scan3A_297, %scan3A_462 : i32
        %add3A_464 = arith.addi %rem3A_124, %scan3A_463 : i32
        %ge3A_465 = arith.constant 200 : i32
        %ge3A_466 = arith.cmpi sge, %add3A_464, %ge3A_465 : i32
        %sub3A_467 = arith.constant 200 : i32
        %sub3A_468 = arith.subi %add3A_464, %sub3A_467 : i32
        %select_n3A_469 = arith.select %ge3A_466, %sub3A_468, %add3A_464 : i32
        %ge3A_470 = arith.constant 200 : i32
        %ge3A_471 = arith.cmpi sge, %select_n3A_469, %ge3A_470 : i32
        %sub3A_472 = arith.constant 200 : i32
        %sub3A_473 = arith.subi %select_n3A_469, %sub3A_472 : i32
        %select_n3A_474 = arith.select %ge3A_471, %sub3A_473, %select_n3A_469 : i32
        %get3A_475 = arith.index_cast %select_n3A_474 : i32 to index
        %get3A_476 = arith.constant 0 : index
        %get3A_477 = tpu.vector_load %arg8[%get3A_475, %get3A_476] {strides = array<i32>} : memref<200x64xf32, #tpu.memory_space<vmem>>, vector<1x16xf32>,
        %get3A_478 = vector.shape_cast %get3A_477 : vector<1x16xf32> to vector<16xf32>
        %swap3A_479 = arith.constant 0 : i32
        %swap3A_480 = arith.index_cast %swap3A_479 : i32 to index
        %swap3A_481 = arith.index_cast %scan3A_463 : i32 to index
        %swap3A_482 = arith.constant 0 : index
        %swap3A_483 = tpu.vector_load %arg7[%swap3A_480, %swap3A_481, %swap3A_482] {strides = array<i32>} : memref<4x200x64xf32, #tpu.memory_space<vmem>>, vector<1x1x16xf32>,
        %swap3A_484 = vector.shape_cast %swap3A_483 : vector<1x1x16xf32> to vector<16xf32>
        %swap3A_485 = vector.shape_cast %get3A_478 : vector<16xf32> to vector<1x1x16xf32>
        tpu.vector_store %arg7[%swap3A_480, %swap3A_481, %swap3A_482], %swap3A_485 {add = true, strides = array<i32>} : memref<4x200x64xf32, #tpu.memory_space<vmem>>, vector<1x1x16xf32>,
        %get3A_486 = arith.index_cast %select_n3A_474 : i32 to index
        %get3A_487 = arith.constant 16 : index
        %get3A_488 = tpu.vector_load %arg8[%get3A_486, %get3A_487] {strides = array<i32>} : memref<200x64xf32, #tpu.memory_space<vmem>>, vector<1x16xf32>,
        %get3A_489 = vector.shape_cast %get3A_488 : vector<1x16xf32> to vector<16xf32>
        %swap3A_490 = arith.constant 0 : i32
        %swap3A_491 = arith.index_cast %swap3A_490 : i32 to index
        %swap3A_492 = arith.index_cast %scan3A_463 : i32 to index
        %swap3A_493 = arith.constant 16 : index
        %swap3A_494 = tpu.vector_load %arg7[%swap3A_491, %swap3A_492, %swap3A_493] {strides = array<i32>} : memref<4x200x64xf32, #tpu.memory_space<vmem>>, vector<1x1x16xf32>,
        %swap3A_495 = vector.shape_cast %swap3A_494 : vector<1x1x16xf32> to vector<16xf32>
        %swap3A_496 = vector.shape_cast %get3A_489 : vector<16xf32> to vector<1x1x16xf32>
        tpu.vector_store %arg7[%swap3A_491, %swap3A_492, %swap3A_493], %swap3A_496 {add = true, strides = array<i32>} : memref<4x200x64xf32, #tpu.memory_space<vmem>>, vector<1x1x16xf32>,
        %get3A_497 = arith.index_cast %select_n3A_474 : i32 to index
        %get3A_498 = arith.constant 32 : index
        %get3A_499 = tpu.vector_load %arg8[%get3A_497, %get3A_498] {strides = array<i32>} : memref<200x64xf32, #tpu.memory_space<vmem>>, vector<1x16xf32>,
        %get3A_500 = vector.shape_cast %get3A_499 : vector<1x16xf32> to vector<16xf32>
        %swap3A_501 = arith.constant 0 : i32
        %swap3A_502 = arith.index_cast %swap3A_501 : i32 to index
        %swap3A_503 = arith.index_cast %scan3A_463 : i32 to index
        %swap3A_504 = arith.constant 32 : index
        %swap3A_505 = tpu.vector_load %arg7[%swap3A_502, %swap3A_503, %swap3A_504] {strides = array<i32>} : memref<4x200x64xf32, #tpu.memory_space<vmem>>, vector<1x1x16xf32>,
        %swap3A_506 = vector.shape_cast %swap3A_505 : vector<1x1x16xf32> to vector<16xf32>
        %swap3A_507 = vector.shape_cast %get3A_500 : vector<16xf32> to vector<1x1x16xf32>
        tpu.vector_store %arg7[%swap3A_502, %swap3A_503, %swap3A_504], %swap3A_507 {add = true, strides = array<i32>} : memref<4x200x64xf32, #tpu.memory_space<vmem>>, vector<1x1x16xf32>,
        %get3A_508 = arith.index_cast %select_n3A_474 : i32 to index
        %get3A_509 = arith.constant 48 : index
        %get3A_510 = tpu.vector_load %arg8[%get3A_508, %get3A_509] {strides = array<i32>} : memref<200x64xf32, #tpu.memory_space<vmem>>, vector<1x16xf32>,
        %get3A_511 = vector.shape_cast %get3A_510 : vector<1x16xf32> to vector<16xf32>
        %swap3A_512 = arith.constant 0 : i32
        %swap3A_513 = arith.index_cast %swap3A_512 : i32 to index
        %swap3A_514 = arith.index_cast %scan3A_463 : i32 to index
        %swap3A_515 = arith.constant 48 : index
        %swap3A_516 = tpu.vector_load %arg7[%swap3A_513, %swap3A_514, %swap3A_515] {strides = array<i32>} : memref<4x200x64xf32, #tpu.memory_space<vmem>>, vector<1x1x16xf32>,
        %swap3A_517 = vector.shape_cast %swap3A_516 : vector<1x1x16xf32> to vector<16xf32>
        %swap3A_518 = vector.shape_cast %get3A_511 : vector<16xf32> to vector<1x1x16xf32>
        tpu.vector_store %arg7[%swap3A_513, %swap3A_514, %swap3A_515], %swap3A_518 {add = true, strides = array<i32>} : memref<4x200x64xf32, #tpu.memory_space<vmem>>, vector<1x1x16xf32>,
      }
      %scan3A_130 = arith.constant 200 : i32
      %mul3A_131 = arith.constant 200 : i32
      %mul3A_132 = arith.muli %add3A_102, %mul3A_131 : i32
      %add3A_133 = arith.addi %mul3A_2, %mul3A_132 : i32
      %dma_start3A_134 = arith.constant 0 : i32
      %dma_start3A_135 = arith.constant 0 : i32
      %dma_start3A_136 = arith.constant 0 : i32
      %dma_start3A_137 = tpu.memref_slice %arg7[%dma_start3A_134, %dma_start3A_135, %dma_start3A_136] : memref<4x200x64xf32, #tpu.memory_space<vmem>> -> memref<1x200x64xf32, #tpu.memory_space<vmem>>
      %dma_start3A_138 = tpu.memref_squeeze %dma_start3A_137 : memref<1x200x64xf32, #tpu.memory_space<vmem>> -> memref<200x64xf32, #tpu.memory_space<vmem>>
      %dma_start3A_139 = arith.constant 0 : i32
      %dma_start3A_140 = tpu.memref_slice %arg5[%add3A_133, %dma_start3A_139] : memref<819200x128xf32, #tpu.memory_space<hbm>> -> memref<200x64xf32, #tpu.memory_space<hbm>>
      %dma_start3A_141 = arith.constant 0 : i32
      %dma_start3A_142 = tpu.memref_slice %arg5[%add3A_133, %dma_start3A_141] : memref<819200x128xf32, #tpu.memory_space<hbm>> -> memref<200x64xf32, #tpu.memory_space<hbm>>
      %dma_start3A_143 = arith.constant 0 : i32
      %dma_start3A_144 = arith.constant 0 : i32
      %dma_start3A_145 = tpu.memref_slice %arg7[%dma_start3A_134, %dma_start3A_143, %dma_start3A_144] : memref<4x200x64xf32, #tpu.memory_space<vmem>> -> memref<1x200x64xf32, #tpu.memory_space<vmem>>
      %dma_start3A_146 = tpu.memref_squeeze %dma_start3A_145 : memref<1x200x64xf32, #tpu.memory_space<vmem>> -> memref<200x64xf32, #tpu.memory_space<vmem>>
      tpu.enqueue_dma source(%dma_start3A_146 : memref<200x64xf32, #tpu.memory_space<vmem>>) target(%dma_start3A_142 : memref<200x64xf32, #tpu.memory_space<hbm>>) target_semaphore(%arg13 : memref<!tpu.dma_semaphore, #tpu.memory_space<semaphore_mem>>)
      %add3A_147 = arith.constant 1 : i32
      %add3A_148 = arith.addi %mul3A_100, %add3A_147 : i32
      %add3A_149 = arith.constant 2 : i32
      %add3A_150 = arith.addi %add3A_148, %add3A_149 : i32
      %lt3A_151 = arith.constant 128 : i32
      %lt3A_152 = arith.cmpi slt, %add3A_150, %lt3A_151 : i32
      %convert_element_type3A_153 = arith.extui %lt3A_152 : i1 to i32
      %cond3A_154 = arith.constant 0 : i32
      %cond3A_155 = arith.cmpi ne, %convert_element_type3A_153, %cond3A_154 : i32
      scf.if %cond3A_155 {
        %ge3A = arith.constant 2 : i32
        %ge3A_297 = arith.cmpi sge, %add3A_148, %ge3A : i32
        %convert_element_type3A_298 = arith.extui %ge3A_297 : i1 to i32
        %cond3A_299 = arith.constant 0 : i32
        %cond3A_300 = arith.cmpi ne, %convert_element_type3A_298, %cond3A_299 : i32
        scf.if %cond3A_300 {
          %dma_wait3A_327 = arith.constant 3 : i32
          %dma_wait3A_328 = arith.constant 0 : i32
          %dma_wait3A_329 = arith.constant 0 : i32
          %dma_wait3A_330 = tpu.memref_slice %arg7[%dma_wait3A_327, %dma_wait3A_328, %dma_wait3A_329] : memref<4x200x64xf32, #tpu.memory_space<vmem>> -> memref<1x200x64xf32, #tpu.memory_space<vmem>>
          %dma_wait3A_331 = tpu.memref_squeeze %dma_wait3A_330 : memref<1x200x64xf32, #tpu.memory_space<vmem>> -> memref<200x64xf32, #tpu.memory_space<vmem>>
          %dma_wait3A_332 = arith.constant 0 : i32
          %dma_wait3A_333 = tpu.memref_slice %arg5[%mul3A_2, %dma_wait3A_332] : memref<819200x128xf32, #tpu.memory_space<hbm>> -> memref<200x64xf32, #tpu.memory_space<hbm>>
          %dma_wait3A_334 = arith.constant 0 : i32
          %dma_wait3A_335 = tpu.memref_slice %arg5[%mul3A_2, %dma_wait3A_334] : memref<819200x128xf32, #tpu.memory_space<hbm>> -> memref<200x64xf32, #tpu.memory_space<hbm>>
          %dma_wait3A_336 = arith.constant 0 : i32
          %dma_wait3A_337 = arith.constant 0 : i32
          %dma_wait3A_338 = tpu.memref_slice %arg7[%dma_wait3A_327, %dma_wait3A_336, %dma_wait3A_337] : memref<4x200x64xf32, #tpu.memory_space<vmem>> -> memref<1x200x64xf32, #tpu.memory_space<vmem>>
          %dma_wait3A_339 = tpu.memref_squeeze %dma_wait3A_338 : memref<1x200x64xf32, #tpu.memory_space<vmem>> -> memref<200x64xf32, #tpu.memory_space<vmem>>
          tpu.wait_dma2 semaphore(%arg16 : memref<!tpu.dma_semaphore, #tpu.memory_space<semaphore_mem>>) src(%dma_wait3A_339 : memref<200x64xf32, #tpu.memory_space<vmem>>) dst(%dma_wait3A_335 : memref<200x64xf32, #tpu.memory_space<hbm>>)
        } else {
        }
        %mul3A_301 = arith.constant 200 : i32
        %mul3A_302 = arith.muli %add3A_150, %mul3A_301 : i32
        %add3A_303 = arith.constant 0 : i32
        %add3A_304 = arith.addi %mul3A_302, %add3A_303 : i32
        %dma_start3A_305 = arith.constant 3 : i32
        %dma_start3A_306 = arith.constant 0 : i32
        %dma_start3A_307 = arith.constant 0 : i32
        %dma_start3A_308 = tpu.memref_slice %arg7[%dma_start3A_305, %dma_start3A_306, %dma_start3A_307] : memref<4x200x64xf32, #tpu.memory_space<vmem>> -> memref<1x128x64xf32, #tpu.memory_space<vmem>>
        %dma_start3A_309 = tpu.memref_squeeze %dma_start3A_308 : memref<1x128x64xf32, #tpu.memory_space<vmem>> -> memref<128x64xf32, #tpu.memory_space<vmem>>
        %dma_start3A_310 = tpu.memref_slice %arg6[%add3A_304] : memref<25600xi32, #tpu.memory_space<vmem>> -> memref<128xi32, #tpu.memory_space<vmem>>
        %dma_start3A_311 = arith.constant 0 : i32
        %dma_start3A_312 = arith.constant 0 : i32
        %dma_start3A_313 = tpu.memref_slice %arg3[%dma_start3A_311, %dma_start3A_312] : memref<1000000x64xf32, #tpu.memory_space<hbm>> -> memref<1000000x64xf32, #tpu.memory_space<hbm>>
        tpu.enqueue_indirect_dma source(%dma_start3A_313 : memref<1000000x64xf32, #tpu.memory_space<hbm>>) target(%dma_start3A_309 : memref<128x64xf32, #tpu.memory_space<vmem>>) offsets(%dma_start3A_310 : memref<128xi32, #tpu.memory_space<vmem>>) semaphore(%arg12 : memref<!tpu.dma_semaphore, #tpu.memory_space<semaphore_mem>>)
        %mul3A_314 = arith.constant 200 : i32
        %mul3A_315 = arith.muli %add3A_150, %mul3A_314 : i32
        %add3A_316 = arith.constant 128 : i32
        %add3A_317 = arith.addi %mul3A_315, %add3A_316 : i32
        %dma_start3A_318 = arith.constant 3 : i32
        %dma_start3A_319 = arith.constant 128 : i32
        %dma_start3A_320 = arith.constant 0 : i32
        %dma_start3A_321 = tpu.memref_slice %arg7[%dma_start3A_318, %dma_start3A_319, %dma_start3A_320] : memref<4x200x64xf32, #tpu.memory_space<vmem>> -> memref<1x72x64xf32, #tpu.memory_space<vmem>>
        %dma_start3A_322 = tpu.memref_squeeze %dma_start3A_321 : memref<1x72x64xf32, #tpu.memory_space<vmem>> -> memref<72x64xf32, #tpu.memory_space<vmem>>
        %dma_start3A_323 = tpu.memref_slice %arg6[%add3A_317] : memref<25600xi32, #tpu.memory_space<vmem>> -> memref<72xi32, #tpu.memory_space<vmem>>
        %dma_start3A_324 = arith.constant 0 : i32
        %dma_start3A_325 = arith.constant 0 : i32
        %dma_start3A_326 = tpu.memref_slice %arg3[%dma_start3A_324, %dma_start3A_325] : memref<1000000x64xf32, #tpu.memory_space<hbm>> -> memref<1000000x64xf32, #tpu.memory_space<hbm>>
        tpu.enqueue_indirect_dma source(%dma_start3A_326 : memref<1000000x64xf32, #tpu.memory_space<hbm>>) target(%dma_start3A_322 : memref<72x64xf32, #tpu.memory_space<vmem>>) offsets(%dma_start3A_323 : memref<72xi32, #tpu.memory_space<vmem>>) semaphore(%arg12 : memref<!tpu.dma_semaphore, #tpu.memory_space<semaphore_mem>>)
      } else {
      }
      %dma_wait3A_156 = arith.constant 1 : i32
      %dma_wait3A_157 = arith.constant 0 : i32
      %dma_wait3A_158 = arith.constant 0 : i32
      %dma_wait3A_159 = tpu.memref_slice %arg7[%dma_wait3A_156, %dma_wait3A_157, %dma_wait3A_158] : memref<4x200x64xf32, #tpu.memory_space<vmem>> -> memref<1x200x64xf32, #tpu.memory_space<vmem>>
      %dma_wait3A_160 = tpu.memref_squeeze %dma_wait3A_159 : memref<1x200x64xf32, #tpu.memory_space<vmem>> -> memref<200x64xf32, #tpu.memory_space<vmem>>
      %dma_wait3A_161 = arith.constant 0 : i32
      %dma_wait3A_162 = arith.constant 0 : i32
      %dma_wait3A_163 = tpu.memref_slice %arg5[%dma_wait3A_161, %dma_wait3A_162] : memref<819200x128xf32, #tpu.memory_space<hbm>> -> memref<200x64xf32, #tpu.memory_space<hbm>>
      %dma_wait3A_164 = arith.constant 0 : i32
      %dma_wait3A_165 = arith.constant 0 : i32
      %dma_wait3A_166 = tpu.memref_slice %arg7[%dma_wait3A_156, %dma_wait3A_164, %dma_wait3A_165] : memref<4x200x64xf32, #tpu.memory_space<vmem>> -> memref<1x200x64xf32, #tpu.memory_space<vmem>>
      %dma_wait3A_167 = tpu.memref_squeeze %dma_wait3A_166 : memref<1x200x64xf32, #tpu.memory_space<vmem>> -> memref<200x64xf32, #tpu.memory_space<vmem>>
      %dma_wait3A_168 = arith.constant 0 : i32
      %dma_wait3A_169 = arith.constant 0 : i32
      %dma_wait3A_170 = tpu.memref_slice %arg5[%dma_wait3A_168, %dma_wait3A_169] : memref<819200x128xf32, #tpu.memory_space<hbm>> -> memref<200x64xf32, #tpu.memory_space<hbm>>
      tpu.wait_dma2 semaphore(%arg10 : memref<!tpu.dma_semaphore, #tpu.memory_space<semaphore_mem>>) src(%dma_wait3A_170 : memref<200x64xf32, #tpu.memory_space<hbm>>) dst(%dma_wait3A_167 : memref<200x64xf32, #tpu.memory_space<vmem>>)
      %mul3A_171 = arith.constant 200 : i32
      %mul3A_172 = arith.muli %add3A_148, %mul3A_171 : i32
      %rem3A_173 = arith.constant 200 : i32
      %rem3A_174 = arith.remsi %mul3A_172, %rem3A_173 : i32
      %scan3A_175 = arith.constant 0 : i32
      %scan3A_176 = arith.constant 0 : i32
      %scan3A_177 = arith.constant 200 : i32
      %scan3A_178 = arith.addi %scan3A_176, %scan3A_177 : i32
      %scan3A_179 = arith.constant 4 : i32
      scf.for %scan3A_297 = %scan3A_176 to %scan3A_178 step %scan3A_179  : i32 {
        %add3A_298 = arith.addi %rem3A_174, %scan3A_297 : i32
        %ge3A = arith.constant 200 : i32
        %ge3A_299 = arith.cmpi sge, %add3A_298, %ge3A : i32
        %sub3A = arith.constant 200 : i32
        %sub3A_300 = arith.subi %add3A_298, %sub3A : i32
        %select_n3A = arith.select %ge3A_299, %sub3A_300, %add3A_298 : i32
        %ge3A_301 = arith.constant 200 : i32
        %ge3A_302 = arith.cmpi sge, %select_n3A, %ge3A_301 : i32
        %sub3A_303 = arith.constant 200 : i32
        %sub3A_304 = arith.subi %select_n3A, %sub3A_303 : i32
        %select_n3A_305 = arith.select %ge3A_302, %sub3A_304, %select_n3A : i32
        %get3A = arith.index_cast %select_n3A_305 : i32 to index
        %get3A_306 = arith.constant 0 : index
        %get3A_307 = tpu.vector_load %arg8[%get3A, %get3A_306] {strides = array<i32>} : memref<200x64xf32, #tpu.memory_space<vmem>>, vector<1x16xf32>,
        %get3A_308 = vector.shape_cast %get3A_307 : vector<1x16xf32> to vector<16xf32>
        %swap3A = arith.constant 1 : i32
        %swap3A_309 = arith.index_cast %swap3A : i32 to index
        %swap3A_310 = arith.index_cast %scan3A_297 : i32 to index
        %swap3A_311 = arith.constant 0 : index
        %swap3A_312 = tpu.vector_load %arg7[%swap3A_309, %swap3A_310, %swap3A_311] {strides = array<i32>} : memref<4x200x64xf32, #tpu.memory_space<vmem>>, vector<1x1x16xf32>,
        %swap3A_313 = vector.shape_cast %swap3A_312 : vector<1x1x16xf32> to vector<16xf32>
        %swap3A_314 = vector.shape_cast %get3A_308 : vector<16xf32> to vector<1x1x16xf32>
        tpu.vector_store %arg7[%swap3A_309, %swap3A_310, %swap3A_311], %swap3A_314 {add = true, strides = array<i32>} : memref<4x200x64xf32, #tpu.memory_space<vmem>>, vector<1x1x16xf32>,
        %get3A_315 = arith.index_cast %select_n3A_305 : i32 to index
        %get3A_316 = arith.constant 16 : index
        %get3A_317 = tpu.vector_load %arg8[%get3A_315, %get3A_316] {strides = array<i32>} : memref<200x64xf32, #tpu.memory_space<vmem>>, vector<1x16xf32>,
        %get3A_318 = vector.shape_cast %get3A_317 : vector<1x16xf32> to vector<16xf32>
        %swap3A_319 = arith.constant 1 : i32
        %swap3A_320 = arith.index_cast %swap3A_319 : i32 to index
        %swap3A_321 = arith.index_cast %scan3A_297 : i32 to index
        %swap3A_322 = arith.constant 16 : index
        %swap3A_323 = tpu.vector_load %arg7[%swap3A_320, %swap3A_321, %swap3A_322] {strides = array<i32>} : memref<4x200x64xf32, #tpu.memory_space<vmem>>, vector<1x1x16xf32>,
        %swap3A_324 = vector.shape_cast %swap3A_323 : vector<1x1x16xf32> to vector<16xf32>
        %swap3A_325 = vector.shape_cast %get3A_318 : vector<16xf32> to vector<1x1x16xf32>
        tpu.vector_store %arg7[%swap3A_320, %swap3A_321, %swap3A_322], %swap3A_325 {add = true, strides = array<i32>} : memref<4x200x64xf32, #tpu.memory_space<vmem>>, vector<1x1x16xf32>,
        %get3A_326 = arith.index_cast %select_n3A_305 : i32 to index
        %get3A_327 = arith.constant 32 : index
        %get3A_328 = tpu.vector_load %arg8[%get3A_326, %get3A_327] {strides = array<i32>} : memref<200x64xf32, #tpu.memory_space<vmem>>, vector<1x16xf32>,
        %get3A_329 = vector.shape_cast %get3A_328 : vector<1x16xf32> to vector<16xf32>
        %swap3A_330 = arith.constant 1 : i32
        %swap3A_331 = arith.index_cast %swap3A_330 : i32 to index
        %swap3A_332 = arith.index_cast %scan3A_297 : i32 to index
        %swap3A_333 = arith.constant 32 : index
        %swap3A_334 = tpu.vector_load %arg7[%swap3A_331, %swap3A_332, %swap3A_333] {strides = array<i32>} : memref<4x200x64xf32, #tpu.memory_space<vmem>>, vector<1x1x16xf32>,
        %swap3A_335 = vector.shape_cast %swap3A_334 : vector<1x1x16xf32> to vector<16xf32>
        %swap3A_336 = vector.shape_cast %get3A_329 : vector<16xf32> to vector<1x1x16xf32>
        tpu.vector_store %arg7[%swap3A_331, %swap3A_332, %swap3A_333], %swap3A_336 {add = true, strides = array<i32>} : memref<4x200x64xf32, #tpu.memory_space<vmem>>, vector<1x1x16xf32>,
        %get3A_337 = arith.index_cast %select_n3A_305 : i32 to index
        %get3A_338 = arith.constant 48 : index
        %get3A_339 = tpu.vector_load %arg8[%get3A_337, %get3A_338] {strides = array<i32>} : memref<200x64xf32, #tpu.memory_space<vmem>>, vector<1x16xf32>,
        %get3A_340 = vector.shape_cast %get3A_339 : vector<1x16xf32> to vector<16xf32>
        %swap3A_341 = arith.constant 1 : i32
        %swap3A_342 = arith.index_cast %swap3A_341 : i32 to index
        %swap3A_343 = arith.index_cast %scan3A_297 : i32 to index
        %swap3A_344 = arith.constant 48 : index
        %swap3A_345 = tpu.vector_load %arg7[%swap3A_342, %swap3A_343, %swap3A_344] {strides = array<i32>} : memref<4x200x64xf32, #tpu.memory_space<vmem>>, vector<1x1x16xf32>,
        %swap3A_346 = vector.shape_cast %swap3A_345 : vector<1x1x16xf32> to vector<16xf32>
        %swap3A_347 = vector.shape_cast %get3A_340 : vector<16xf32> to vector<1x1x16xf32>
        tpu.vector_store %arg7[%swap3A_342, %swap3A_343, %swap3A_344], %swap3A_347 {add = true, strides = array<i32>} : memref<4x200x64xf32, #tpu.memory_space<vmem>>, vector<1x1x16xf32>,
        %scan3A_348 = arith.constant 1 : i32
        %scan3A_349 = arith.addi %scan3A_297, %scan3A_348 : i32
        %add3A_350 = arith.addi %rem3A_174, %scan3A_349 : i32
        %ge3A_351 = arith.constant 200 : i32
        %ge3A_352 = arith.cmpi sge, %add3A_350, %ge3A_351 : i32
        %sub3A_353 = arith.constant 200 : i32
        %sub3A_354 = arith.subi %add3A_350, %sub3A_353 : i32
        %select_n3A_355 = arith.select %ge3A_352, %sub3A_354, %add3A_350 : i32
        %ge3A_356 = arith.constant 200 : i32
        %ge3A_357 = arith.cmpi sge, %select_n3A_355, %ge3A_356 : i32
        %sub3A_358 = arith.constant 200 : i32
        %sub3A_359 = arith.subi %select_n3A_355, %sub3A_358 : i32
        %select_n3A_360 = arith.select %ge3A_357, %sub3A_359, %select_n3A_355 : i32
        %get3A_361 = arith.index_cast %select_n3A_360 : i32 to index
        %get3A_362 = arith.constant 0 : index
        %get3A_363 = tpu.vector_load %arg8[%get3A_361, %get3A_362] {strides = array<i32>} : memref<200x64xf32, #tpu.memory_space<vmem>>, vector<1x16xf32>,
        %get3A_364 = vector.shape_cast %get3A_363 : vector<1x16xf32> to vector<16xf32>
        %swap3A_365 = arith.constant 1 : i32
        %swap3A_366 = arith.index_cast %swap3A_365 : i32 to index
        %swap3A_367 = arith.index_cast %scan3A_349 : i32 to index
        %swap3A_368 = arith.constant 0 : index
        %swap3A_369 = tpu.vector_load %arg7[%swap3A_366, %swap3A_367, %swap3A_368] {strides = array<i32>} : memref<4x200x64xf32, #tpu.memory_space<vmem>>, vector<1x1x16xf32>,
        %swap3A_370 = vector.shape_cast %swap3A_369 : vector<1x1x16xf32> to vector<16xf32>
        %swap3A_371 = vector.shape_cast %get3A_364 : vector<16xf32> to vector<1x1x16xf32>
        tpu.vector_store %arg7[%swap3A_366, %swap3A_367, %swap3A_368], %swap3A_371 {add = true, strides = array<i32>} : memref<4x200x64xf32, #tpu.memory_space<vmem>>, vector<1x1x16xf32>,
        %get3A_372 = arith.index_cast %select_n3A_360 : i32 to index
        %get3A_373 = arith.constant 16 : index
        %get3A_374 = tpu.vector_load %arg8[%get3A_372, %get3A_373] {strides = array<i32>} : memref<200x64xf32, #tpu.memory_space<vmem>>, vector<1x16xf32>,
        %get3A_375 = vector.shape_cast %get3A_374 : vector<1x16xf32> to vector<16xf32>
        %swap3A_376 = arith.constant 1 : i32
        %swap3A_377 = arith.index_cast %swap3A_376 : i32 to index
        %swap3A_378 = arith.index_cast %scan3A_349 : i32 to index
        %swap3A_379 = arith.constant 16 : index
        %swap3A_380 = tpu.vector_load %arg7[%swap3A_377, %swap3A_378, %swap3A_379] {strides = array<i32>} : memref<4x200x64xf32, #tpu.memory_space<vmem>>, vector<1x1x16xf32>,
        %swap3A_381 = vector.shape_cast %swap3A_380 : vector<1x1x16xf32> to vector<16xf32>
        %swap3A_382 = vector.shape_cast %get3A_375 : vector<16xf32> to vector<1x1x16xf32>
        tpu.vector_store %arg7[%swap3A_377, %swap3A_378, %swap3A_379], %swap3A_382 {add = true, strides = array<i32>} : memref<4x200x64xf32, #tpu.memory_space<vmem>>, vector<1x1x16xf32>,
        %get3A_383 = arith.index_cast %select_n3A_360 : i32 to index
        %get3A_384 = arith.constant 32 : index
        %get3A_385 = tpu.vector_load %arg8[%get3A_383, %get3A_384] {strides = array<i32>} : memref<200x64xf32, #tpu.memory_space<vmem>>, vector<1x16xf32>,
        %get3A_386 = vector.shape_cast %get3A_385 : vector<1x16xf32> to vector<16xf32>
        %swap3A_387 = arith.constant 1 : i32
        %swap3A_388 = arith.index_cast %swap3A_387 : i32 to index
        %swap3A_389 = arith.index_cast %scan3A_349 : i32 to index
        %swap3A_390 = arith.constant 32 : index
        %swap3A_391 = tpu.vector_load %arg7[%swap3A_388, %swap3A_389, %swap3A_390] {strides = array<i32>} : memref<4x200x64xf32, #tpu.memory_space<vmem>>, vector<1x1x16xf32>,
        %swap3A_392 = vector.shape_cast %swap3A_391 : vector<1x1x16xf32> to vector<16xf32>
        %swap3A_393 = vector.shape_cast %get3A_386 : vector<16xf32> to vector<1x1x16xf32>
        tpu.vector_store %arg7[%swap3A_388, %swap3A_389, %swap3A_390], %swap3A_393 {add = true, strides = array<i32>} : memref<4x200x64xf32, #tpu.memory_space<vmem>>, vector<1x1x16xf32>,
        %get3A_394 = arith.index_cast %select_n3A_360 : i32 to index
        %get3A_395 = arith.constant 48 : index
        %get3A_396 = tpu.vector_load %arg8[%get3A_394, %get3A_395] {strides = array<i32>} : memref<200x64xf32, #tpu.memory_space<vmem>>, vector<1x16xf32>,
        %get3A_397 = vector.shape_cast %get3A_396 : vector<1x16xf32> to vector<16xf32>
        %swap3A_398 = arith.constant 1 : i32
        %swap3A_399 = arith.index_cast %swap3A_398 : i32 to index
        %swap3A_400 = arith.index_cast %scan3A_349 : i32 to index
        %swap3A_401 = arith.constant 48 : index
        %swap3A_402 = tpu.vector_load %arg7[%swap3A_399, %swap3A_400, %swap3A_401] {strides = array<i32>} : memref<4x200x64xf32, #tpu.memory_space<vmem>>, vector<1x1x16xf32>,
        %swap3A_403 = vector.shape_cast %swap3A_402 : vector<1x1x16xf32> to vector<16xf32>
        %swap3A_404 = vector.shape_cast %get3A_397 : vector<16xf32> to vector<1x1x16xf32>
        tpu.vector_store %arg7[%swap3A_399, %swap3A_400, %swap3A_401], %swap3A_404 {add = true, strides = array<i32>} : memref<4x200x64xf32, #tpu.memory_space<vmem>>, vector<1x1x16xf32>,
        %scan3A_405 = arith.constant 2 : i32
        %scan3A_406 = arith.addi %scan3A_297, %scan3A_405 : i32
        %add3A_407 = arith.addi %rem3A_174, %scan3A_406 : i32
        %ge3A_408 = arith.constant 200 : i32
        %ge3A_409 = arith.cmpi sge, %add3A_407, %ge3A_408 : i32
        %sub3A_410 = arith.constant 200 : i32
        %sub3A_411 = arith.subi %add3A_407, %sub3A_410 : i32
        %select_n3A_412 = arith.select %ge3A_409, %sub3A_411, %add3A_407 : i32
        %ge3A_413 = arith.constant 200 : i32
        %ge3A_414 = arith.cmpi sge, %select_n3A_412, %ge3A_413 : i32
        %sub3A_415 = arith.constant 200 : i32
        %sub3A_416 = arith.subi %select_n3A_412, %sub3A_415 : i32
        %select_n3A_417 = arith.select %ge3A_414, %sub3A_416, %select_n3A_412 : i32
        %get3A_418 = arith.index_cast %select_n3A_417 : i32 to index
        %get3A_419 = arith.constant 0 : index
        %get3A_420 = tpu.vector_load %arg8[%get3A_418, %get3A_419] {strides = array<i32>} : memref<200x64xf32, #tpu.memory_space<vmem>>, vector<1x16xf32>,
        %get3A_421 = vector.shape_cast %get3A_420 : vector<1x16xf32> to vector<16xf32>
        %swap3A_422 = arith.constant 1 : i32
        %swap3A_423 = arith.index_cast %swap3A_422 : i32 to index
        %swap3A_424 = arith.index_cast %scan3A_406 : i32 to index
        %swap3A_425 = arith.constant 0 : index
        %swap3A_426 = tpu.vector_load %arg7[%swap3A_423, %swap3A_424, %swap3A_425] {strides = array<i32>} : memref<4x200x64xf32, #tpu.memory_space<vmem>>, vector<1x1x16xf32>,
        %swap3A_427 = vector.shape_cast %swap3A_426 : vector<1x1x16xf32> to vector<16xf32>
        %swap3A_428 = vector.shape_cast %get3A_421 : vector<16xf32> to vector<1x1x16xf32>
        tpu.vector_store %arg7[%swap3A_423, %swap3A_424, %swap3A_425], %swap3A_428 {add = true, strides = array<i32>} : memref<4x200x64xf32, #tpu.memory_space<vmem>>, vector<1x1x16xf32>,
        %get3A_429 = arith.index_cast %select_n3A_417 : i32 to index
        %get3A_430 = arith.constant 16 : index
        %get3A_431 = tpu.vector_load %arg8[%get3A_429, %get3A_430] {strides = array<i32>} : memref<200x64xf32, #tpu.memory_space<vmem>>, vector<1x16xf32>,
        %get3A_432 = vector.shape_cast %get3A_431 : vector<1x16xf32> to vector<16xf32>
        %swap3A_433 = arith.constant 1 : i32
        %swap3A_434 = arith.index_cast %swap3A_433 : i32 to index
        %swap3A_435 = arith.index_cast %scan3A_406 : i32 to index
        %swap3A_436 = arith.constant 16 : index
        %swap3A_437 = tpu.vector_load %arg7[%swap3A_434, %swap3A_435, %swap3A_436] {strides = array<i32>} : memref<4x200x64xf32, #tpu.memory_space<vmem>>, vector<1x1x16xf32>,
        %swap3A_438 = vector.shape_cast %swap3A_437 : vector<1x1x16xf32> to vector<16xf32>
        %swap3A_439 = vector.shape_cast %get3A_432 : vector<16xf32> to vector<1x1x16xf32>
        tpu.vector_store %arg7[%swap3A_434, %swap3A_435, %swap3A_436], %swap3A_439 {add = true, strides = array<i32>} : memref<4x200x64xf32, #tpu.memory_space<vmem>>, vector<1x1x16xf32>,
        %get3A_440 = arith.index_cast %select_n3A_417 : i32 to index
        %get3A_441 = arith.constant 32 : index
        %get3A_442 = tpu.vector_load %arg8[%get3A_440, %get3A_441] {strides = array<i32>} : memref<200x64xf32, #tpu.memory_space<vmem>>, vector<1x16xf32>,
        %get3A_443 = vector.shape_cast %get3A_442 : vector<1x16xf32> to vector<16xf32>
        %swap3A_444 = arith.constant 1 : i32
        %swap3A_445 = arith.index_cast %swap3A_444 : i32 to index
        %swap3A_446 = arith.index_cast %scan3A_406 : i32 to index
        %swap3A_447 = arith.constant 32 : index
        %swap3A_448 = tpu.vector_load %arg7[%swap3A_445, %swap3A_446, %swap3A_447] {strides = array<i32>} : memref<4x200x64xf32, #tpu.memory_space<vmem>>, vector<1x1x16xf32>,
        %swap3A_449 = vector.shape_cast %swap3A_448 : vector<1x1x16xf32> to vector<16xf32>
        %swap3A_450 = vector.shape_cast %get3A_443 : vector<16xf32> to vector<1x1x16xf32>
        tpu.vector_store %arg7[%swap3A_445, %swap3A_446, %swap3A_447], %swap3A_450 {add = true, strides = array<i32>} : memref<4x200x64xf32, #tpu.memory_space<vmem>>, vector<1x1x16xf32>,
        %get3A_451 = arith.index_cast %select_n3A_417 : i32 to index
        %get3A_452 = arith.constant 48 : index
        %get3A_453 = tpu.vector_load %arg8[%get3A_451, %get3A_452] {strides = array<i32>} : memref<200x64xf32, #tpu.memory_space<vmem>>, vector<1x16xf32>,
        %get3A_454 = vector.shape_cast %get3A_453 : vector<1x16xf32> to vector<16xf32>
        %swap3A_455 = arith.constant 1 : i32
        %swap3A_456 = arith.index_cast %swap3A_455 : i32 to index
        %swap3A_457 = arith.index_cast %scan3A_406 : i32 to index
        %swap3A_458 = arith.constant 48 : index
        %swap3A_459 = tpu.vector_load %arg7[%swap3A_456, %swap3A_457, %swap3A_458] {strides = array<i32>} : memref<4x200x64xf32, #tpu.memory_space<vmem>>, vector<1x1x16xf32>,
        %swap3A_460 = vector.shape_cast %swap3A_459 : vector<1x1x16xf32> to vector<16xf32>
        %swap3A_461 = vector.shape_cast %get3A_454 : vector<16xf32> to vector<1x1x16xf32>
        tpu.vector_store %arg7[%swap3A_456, %swap3A_457, %swap3A_458], %swap3A_461 {add = true, strides = array<i32>} : memref<4x200x64xf32, #tpu.memory_space<vmem>>, vector<1x1x16xf32>,
        %scan3A_462 = arith.constant 3 : i32
        %scan3A_463 = arith.addi %scan3A_297, %scan3A_462 : i32
        %add3A_464 = arith.addi %rem3A_174, %scan3A_463 : i32
        %ge3A_465 = arith.constant 200 : i32
        %ge3A_466 = arith.cmpi sge, %add3A_464, %ge3A_465 : i32
        %sub3A_467 = arith.constant 200 : i32
        %sub3A_468 = arith.subi %add3A_464, %sub3A_467 : i32
        %select_n3A_469 = arith.select %ge3A_466, %sub3A_468, %add3A_464 : i32
        %ge3A_470 = arith.constant 200 : i32
        %ge3A_471 = arith.cmpi sge, %select_n3A_469, %ge3A_470 : i32
        %sub3A_472 = arith.constant 200 : i32
        %sub3A_473 = arith.subi %select_n3A_469, %sub3A_472 : i32
        %select_n3A_474 = arith.select %ge3A_471, %sub3A_473, %select_n3A_469 : i32
        %get3A_475 = arith.index_cast %select_n3A_474 : i32 to index
        %get3A_476 = arith.constant 0 : index
        %get3A_477 = tpu.vector_load %arg8[%get3A_475, %get3A_476] {strides = array<i32>} : memref<200x64xf32, #tpu.memory_space<vmem>>, vector<1x16xf32>,
        %get3A_478 = vector.shape_cast %get3A_477 : vector<1x16xf32> to vector<16xf32>
        %swap3A_479 = arith.constant 1 : i32
        %swap3A_480 = arith.index_cast %swap3A_479 : i32 to index
        %swap3A_481 = arith.index_cast %scan3A_463 : i32 to index
        %swap3A_482 = arith.constant 0 : index
        %swap3A_483 = tpu.vector_load %arg7[%swap3A_480, %swap3A_481, %swap3A_482] {strides = array<i32>} : memref<4x200x64xf32, #tpu.memory_space<vmem>>, vector<1x1x16xf32>,
        %swap3A_484 = vector.shape_cast %swap3A_483 : vector<1x1x16xf32> to vector<16xf32>
        %swap3A_485 = vector.shape_cast %get3A_478 : vector<16xf32> to vector<1x1x16xf32>
        tpu.vector_store %arg7[%swap3A_480, %swap3A_481, %swap3A_482], %swap3A_485 {add = true, strides = array<i32>} : memref<4x200x64xf32, #tpu.memory_space<vmem>>, vector<1x1x16xf32>,
        %get3A_486 = arith.index_cast %select_n3A_474 : i32 to index
        %get3A_487 = arith.constant 16 : index
        %get3A_488 = tpu.vector_load %arg8[%get3A_486, %get3A_487] {strides = array<i32>} : memref<200x64xf32, #tpu.memory_space<vmem>>, vector<1x16xf32>,
        %get3A_489 = vector.shape_cast %get3A_488 : vector<1x16xf32> to vector<16xf32>
        %swap3A_490 = arith.constant 1 : i32
        %swap3A_491 = arith.index_cast %swap3A_490 : i32 to index
        %swap3A_492 = arith.index_cast %scan3A_463 : i32 to index
        %swap3A_493 = arith.constant 16 : index
        %swap3A_494 = tpu.vector_load %arg7[%swap3A_491, %swap3A_492, %swap3A_493] {strides = array<i32>} : memref<4x200x64xf32, #tpu.memory_space<vmem>>, vector<1x1x16xf32>,
        %swap3A_495 = vector.shape_cast %swap3A_494 : vector<1x1x16xf32> to vector<16xf32>
        %swap3A_496 = vector.shape_cast %get3A_489 : vector<16xf32> to vector<1x1x16xf32>
        tpu.vector_store %arg7[%swap3A_491, %swap3A_492, %swap3A_493], %swap3A_496 {add = true, strides = array<i32>} : memref<4x200x64xf32, #tpu.memory_space<vmem>>, vector<1x1x16xf32>,
        %get3A_497 = arith.index_cast %select_n3A_474 : i32 to index
        %get3A_498 = arith.constant 32 : index
        %get3A_499 = tpu.vector_load %arg8[%get3A_497, %get3A_498] {strides = array<i32>} : memref<200x64xf32, #tpu.memory_space<vmem>>, vector<1x16xf32>,
        %get3A_500 = vector.shape_cast %get3A_499 : vector<1x16xf32> to vector<16xf32>
        %swap3A_501 = arith.constant 1 : i32
        %swap3A_502 = arith.index_cast %swap3A_501 : i32 to index
        %swap3A_503 = arith.index_cast %scan3A_463 : i32 to index
        %swap3A_504 = arith.constant 32 : index
        %swap3A_505 = tpu.vector_load %arg7[%swap3A_502, %swap3A_503, %swap3A_504] {strides = array<i32>} : memref<4x200x64xf32, #tpu.memory_space<vmem>>, vector<1x1x16xf32>,
        %swap3A_506 = vector.shape_cast %swap3A_505 : vector<1x1x16xf32> to vector<16xf32>
        %swap3A_507 = vector.shape_cast %get3A_500 : vector<16xf32> to vector<1x1x16xf32>
        tpu.vector_store %arg7[%swap3A_502, %swap3A_503, %swap3A_504], %swap3A_507 {add = true, strides = array<i32>} : memref<4x200x64xf32, #tpu.memory_space<vmem>>, vector<1x1x16xf32>,
        %get3A_508 = arith.index_cast %select_n3A_474 : i32 to index
        %get3A_509 = arith.constant 48 : index
        %get3A_510 = tpu.vector_load %arg8[%get3A_508, %get3A_509] {strides = array<i32>} : memref<200x64xf32, #tpu.memory_space<vmem>>, vector<1x16xf32>,
        %get3A_511 = vector.shape_cast %get3A_510 : vector<1x16xf32> to vector<16xf32>
        %swap3A_512 = arith.constant 1 : i32
        %swap3A_513 = arith.index_cast %swap3A_512 : i32 to index
        %swap3A_514 = arith.index_cast %scan3A_463 : i32 to index
        %swap3A_515 = arith.constant 48 : index
        %swap3A_516 = tpu.vector_load %arg7[%swap3A_513, %swap3A_514, %swap3A_515] {strides = array<i32>} : memref<4x200x64xf32, #tpu.memory_space<vmem>>, vector<1x1x16xf32>,
        %swap3A_517 = vector.shape_cast %swap3A_516 : vector<1x1x16xf32> to vector<16xf32>
        %swap3A_518 = vector.shape_cast %get3A_511 : vector<16xf32> to vector<1x1x16xf32>
        tpu.vector_store %arg7[%swap3A_513, %swap3A_514, %swap3A_515], %swap3A_518 {add = true, strides = array<i32>} : memref<4x200x64xf32, #tpu.memory_space<vmem>>, vector<1x1x16xf32>,
      }
      %scan3A_180 = arith.constant 200 : i32
      %mul3A_181 = arith.constant 200 : i32
      %mul3A_182 = arith.muli %add3A_148, %mul3A_181 : i32
      %add3A_183 = arith.addi %mul3A_2, %mul3A_182 : i32
      %dma_start3A_184 = arith.constant 1 : i32
      %dma_start3A_185 = arith.constant 0 : i32
      %dma_start3A_186 = arith.constant 0 : i32
      %dma_start3A_187 = tpu.memref_slice %arg7[%dma_start3A_184, %dma_start3A_185, %dma_start3A_186] : memref<4x200x64xf32, #tpu.memory_space<vmem>> -> memref<1x200x64xf32, #tpu.memory_space<vmem>>
      %dma_start3A_188 = tpu.memref_squeeze %dma_start3A_187 : memref<1x200x64xf32, #tpu.memory_space<vmem>> -> memref<200x64xf32, #tpu.memory_space<vmem>>
      %dma_start3A_189 = arith.constant 0 : i32
      %dma_start3A_190 = tpu.memref_slice %arg5[%add3A_183, %dma_start3A_189] : memref<819200x128xf32, #tpu.memory_space<hbm>> -> memref<200x64xf32, #tpu.memory_space<hbm>>
      %dma_start3A_191 = arith.constant 0 : i32
      %dma_start3A_192 = tpu.memref_slice %arg5[%add3A_183, %dma_start3A_191] : memref<819200x128xf32, #tpu.memory_space<hbm>> -> memref<200x64xf32, #tpu.memory_space<hbm>>
      %dma_start3A_193 = arith.constant 0 : i32
      %dma_start3A_194 = arith.constant 0 : i32
      %dma_start3A_195 = tpu.memref_slice %arg7[%dma_start3A_184, %dma_start3A_193, %dma_start3A_194] : memref<4x200x64xf32, #tpu.memory_space<vmem>> -> memref<1x200x64xf32, #tpu.memory_space<vmem>>
      %dma_start3A_196 = tpu.memref_squeeze %dma_start3A_195 : memref<1x200x64xf32, #tpu.memory_space<vmem>> -> memref<200x64xf32, #tpu.memory_space<vmem>>
      tpu.enqueue_dma source(%dma_start3A_196 : memref<200x64xf32, #tpu.memory_space<vmem>>) target(%dma_start3A_192 : memref<200x64xf32, #tpu.memory_space<hbm>>) target_semaphore(%arg14 : memref<!tpu.dma_semaphore, #tpu.memory_space<semaphore_mem>>)
      %add3A_197 = arith.constant 2 : i32
      %add3A_198 = arith.addi %mul3A_100, %add3A_197 : i32
      %add3A_199 = arith.constant 2 : i32
      %add3A_200 = arith.addi %add3A_198, %add3A_199 : i32
      %lt3A_201 = arith.constant 128 : i32
      %lt3A_202 = arith.cmpi slt, %add3A_200, %lt3A_201 : i32
      %convert_element_type3A_203 = arith.extui %lt3A_202 : i1 to i32
      %cond3A_204 = arith.constant 0 : i32
      %cond3A_205 = arith.cmpi ne, %convert_element_type3A_203, %cond3A_204 : i32
      scf.if %cond3A_205 {
        %ge3A = arith.constant 2 : i32
        %ge3A_297 = arith.cmpi sge, %add3A_198, %ge3A : i32
        %convert_element_type3A_298 = arith.extui %ge3A_297 : i1 to i32
        %cond3A_299 = arith.constant 0 : i32
        %cond3A_300 = arith.cmpi ne, %convert_element_type3A_298, %cond3A_299 : i32
        scf.if %cond3A_300 {
          %dma_wait3A_327 = arith.constant 0 : i32
          %dma_wait3A_328 = arith.constant 0 : i32
          %dma_wait3A_329 = arith.constant 0 : i32
          %dma_wait3A_330 = tpu.memref_slice %arg7[%dma_wait3A_327, %dma_wait3A_328, %dma_wait3A_329] : memref<4x200x64xf32, #tpu.memory_space<vmem>> -> memref<1x200x64xf32, #tpu.memory_space<vmem>>
          %dma_wait3A_331 = tpu.memref_squeeze %dma_wait3A_330 : memref<1x200x64xf32, #tpu.memory_space<vmem>> -> memref<200x64xf32, #tpu.memory_space<vmem>>
          %dma_wait3A_332 = arith.constant 0 : i32
          %dma_wait3A_333 = tpu.memref_slice %arg5[%mul3A_2, %dma_wait3A_332] : memref<819200x128xf32, #tpu.memory_space<hbm>> -> memref<200x64xf32, #tpu.memory_space<hbm>>
          %dma_wait3A_334 = arith.constant 0 : i32
          %dma_wait3A_335 = tpu.memref_slice %arg5[%mul3A_2, %dma_wait3A_334] : memref<819200x128xf32, #tpu.memory_space<hbm>> -> memref<200x64xf32, #tpu.memory_space<hbm>>
          %dma_wait3A_336 = arith.constant 0 : i32
          %dma_wait3A_337 = arith.constant 0 : i32
          %dma_wait3A_338 = tpu.memref_slice %arg7[%dma_wait3A_327, %dma_wait3A_336, %dma_wait3A_337] : memref<4x200x64xf32, #tpu.memory_space<vmem>> -> memref<1x200x64xf32, #tpu.memory_space<vmem>>
          %dma_wait3A_339 = tpu.memref_squeeze %dma_wait3A_338 : memref<1x200x64xf32, #tpu.memory_space<vmem>> -> memref<200x64xf32, #tpu.memory_space<vmem>>
          tpu.wait_dma2 semaphore(%arg13 : memref<!tpu.dma_semaphore, #tpu.memory_space<semaphore_mem>>) src(%dma_wait3A_339 : memref<200x64xf32, #tpu.memory_space<vmem>>) dst(%dma_wait3A_335 : memref<200x64xf32, #tpu.memory_space<hbm>>)
        } else {
        }
        %mul3A_301 = arith.constant 200 : i32
        %mul3A_302 = arith.muli %add3A_200, %mul3A_301 : i32
        %add3A_303 = arith.constant 0 : i32
        %add3A_304 = arith.addi %mul3A_302, %add3A_303 : i32
        %dma_start3A_305 = arith.constant 0 : i32
        %dma_start3A_306 = arith.constant 0 : i32
        %dma_start3A_307 = arith.constant 0 : i32
        %dma_start3A_308 = tpu.memref_slice %arg7[%dma_start3A_305, %dma_start3A_306, %dma_start3A_307] : memref<4x200x64xf32, #tpu.memory_space<vmem>> -> memref<1x128x64xf32, #tpu.memory_space<vmem>>
        %dma_start3A_309 = tpu.memref_squeeze %dma_start3A_308 : memref<1x128x64xf32, #tpu.memory_space<vmem>> -> memref<128x64xf32, #tpu.memory_space<vmem>>
        %dma_start3A_310 = tpu.memref_slice %arg6[%add3A_304] : memref<25600xi32, #tpu.memory_space<vmem>> -> memref<128xi32, #tpu.memory_space<vmem>>
        %dma_start3A_311 = arith.constant 0 : i32
        %dma_start3A_312 = arith.constant 0 : i32
        %dma_start3A_313 = tpu.memref_slice %arg3[%dma_start3A_311, %dma_start3A_312] : memref<1000000x64xf32, #tpu.memory_space<hbm>> -> memref<1000000x64xf32, #tpu.memory_space<hbm>>
        tpu.enqueue_indirect_dma source(%dma_start3A_313 : memref<1000000x64xf32, #tpu.memory_space<hbm>>) target(%dma_start3A_309 : memref<128x64xf32, #tpu.memory_space<vmem>>) offsets(%dma_start3A_310 : memref<128xi32, #tpu.memory_space<vmem>>) semaphore(%arg9 : memref<!tpu.dma_semaphore, #tpu.memory_space<semaphore_mem>>)
        %mul3A_314 = arith.constant 200 : i32
        %mul3A_315 = arith.muli %add3A_200, %mul3A_314 : i32
        %add3A_316 = arith.constant 128 : i32
        %add3A_317 = arith.addi %mul3A_315, %add3A_316 : i32
        %dma_start3A_318 = arith.constant 0 : i32
        %dma_start3A_319 = arith.constant 128 : i32
        %dma_start3A_320 = arith.constant 0 : i32
        %dma_start3A_321 = tpu.memref_slice %arg7[%dma_start3A_318, %dma_start3A_319, %dma_start3A_320] : memref<4x200x64xf32, #tpu.memory_space<vmem>> -> memref<1x72x64xf32, #tpu.memory_space<vmem>>
        %dma_start3A_322 = tpu.memref_squeeze %dma_start3A_321 : memref<1x72x64xf32, #tpu.memory_space<vmem>> -> memref<72x64xf32, #tpu.memory_space<vmem>>
        %dma_start3A_323 = tpu.memref_slice %arg6[%add3A_317] : memref<25600xi32, #tpu.memory_space<vmem>> -> memref<72xi32, #tpu.memory_space<vmem>>
        %dma_start3A_324 = arith.constant 0 : i32
        %dma_start3A_325 = arith.constant 0 : i32
        %dma_start3A_326 = tpu.memref_slice %arg3[%dma_start3A_324, %dma_start3A_325] : memref<1000000x64xf32, #tpu.memory_space<hbm>> -> memref<1000000x64xf32, #tpu.memory_space<hbm>>
        tpu.enqueue_indirect_dma source(%dma_start3A_326 : memref<1000000x64xf32, #tpu.memory_space<hbm>>) target(%dma_start3A_322 : memref<72x64xf32, #tpu.memory_space<vmem>>) offsets(%dma_start3A_323 : memref<72xi32, #tpu.memory_space<vmem>>) semaphore(%arg9 : memref<!tpu.dma_semaphore, #tpu.memory_space<semaphore_mem>>)
      } else {
      }
      %dma_wait3A_206 = arith.constant 2 : i32
      %dma_wait3A_207 = arith.constant 0 : i32
      %dma_wait3A_208 = arith.constant 0 : i32
      %dma_wait3A_209 = tpu.memref_slice %arg7[%dma_wait3A_206, %dma_wait3A_207, %dma_wait3A_208] : memref<4x200x64xf32, #tpu.memory_space<vmem>> -> memref<1x200x64xf32, #tpu.memory_space<vmem>>
      %dma_wait3A_210 = tpu.memref_squeeze %dma_wait3A_209 : memref<1x200x64xf32, #tpu.memory_space<vmem>> -> memref<200x64xf32, #tpu.memory_space<vmem>>
      %dma_wait3A_211 = arith.constant 0 : i32
      %dma_wait3A_212 = arith.constant 0 : i32
      %dma_wait3A_213 = tpu.memref_slice %arg5[%dma_wait3A_211, %dma_wait3A_212] : memref<819200x128xf32, #tpu.memory_space<hbm>> -> memref<200x64xf32, #tpu.memory_space<hbm>>
      %dma_wait3A_214 = arith.constant 0 : i32
      %dma_wait3A_215 = arith.constant 0 : i32
      %dma_wait3A_216 = tpu.memref_slice %arg7[%dma_wait3A_206, %dma_wait3A_214, %dma_wait3A_215] : memref<4x200x64xf32, #tpu.memory_space<vmem>> -> memref<1x200x64xf32, #tpu.memory_space<vmem>>
      %dma_wait3A_217 = tpu.memref_squeeze %dma_wait3A_216 : memref<1x200x64xf32, #tpu.memory_space<vmem>> -> memref<200x64xf32, #tpu.memory_space<vmem>>
      %dma_wait3A_218 = arith.constant 0 : i32
      %dma_wait3A_219 = arith.constant 0 : i32
      %dma_wait3A_220 = tpu.memref_slice %arg5[%dma_wait3A_218, %dma_wait3A_219] : memref<819200x128xf32, #tpu.memory_space<hbm>> -> memref<200x64xf32, #tpu.memory_space<hbm>>
      tpu.wait_dma2 semaphore(%arg11 : memref<!tpu.dma_semaphore, #tpu.memory_space<semaphore_mem>>) src(%dma_wait3A_220 : memref<200x64xf32, #tpu.memory_space<hbm>>) dst(%dma_wait3A_217 : memref<200x64xf32, #tpu.memory_space<vmem>>)
      %mul3A_221 = arith.constant 200 : i32
      %mul3A_222 = arith.muli %add3A_198, %mul3A_221 : i32
      %rem3A_223 = arith.constant 200 : i32
      %rem3A_224 = arith.remsi %mul3A_222, %rem3A_223 : i32
      %scan3A_225 = arith.constant 0 : i32
      %scan3A_226 = arith.constant 0 : i32
      %scan3A_227 = arith.constant 200 : i32
      %scan3A_228 = arith.addi %scan3A_226, %scan3A_227 : i32
      %scan3A_229 = arith.constant 4 : i32
      scf.for %scan3A_297 = %scan3A_226 to %scan3A_228 step %scan3A_229  : i32 {
        %add3A_298 = arith.addi %rem3A_224, %scan3A_297 : i32
        %ge3A = arith.constant 200 : i32
        %ge3A_299 = arith.cmpi sge, %add3A_298, %ge3A : i32
        %sub3A = arith.constant 200 : i32
        %sub3A_300 = arith.subi %add3A_298, %sub3A : i32
        %select_n3A = arith.select %ge3A_299, %sub3A_300, %add3A_298 : i32
        %ge3A_301 = arith.constant 200 : i32
        %ge3A_302 = arith.cmpi sge, %select_n3A, %ge3A_301 : i32
        %sub3A_303 = arith.constant 200 : i32
        %sub3A_304 = arith.subi %select_n3A, %sub3A_303 : i32
        %select_n3A_305 = arith.select %ge3A_302, %sub3A_304, %select_n3A : i32
        %get3A = arith.index_cast %select_n3A_305 : i32 to index
        %get3A_306 = arith.constant 0 : index
        %get3A_307 = tpu.vector_load %arg8[%get3A, %get3A_306] {strides = array<i32>} : memref<200x64xf32, #tpu.memory_space<vmem>>, vector<1x16xf32>,
        %get3A_308 = vector.shape_cast %get3A_307 : vector<1x16xf32> to vector<16xf32>
        %swap3A = arith.constant 2 : i32
        %swap3A_309 = arith.index_cast %swap3A : i32 to index
        %swap3A_310 = arith.index_cast %scan3A_297 : i32 to index
        %swap3A_311 = arith.constant 0 : index
        %swap3A_312 = tpu.vector_load %arg7[%swap3A_309, %swap3A_310, %swap3A_311] {strides = array<i32>} : memref<4x200x64xf32, #tpu.memory_space<vmem>>, vector<1x1x16xf32>,
        %swap3A_313 = vector.shape_cast %swap3A_312 : vector<1x1x16xf32> to vector<16xf32>
        %swap3A_314 = vector.shape_cast %get3A_308 : vector<16xf32> to vector<1x1x16xf32>
        tpu.vector_store %arg7[%swap3A_309, %swap3A_310, %swap3A_311], %swap3A_314 {add = true, strides = array<i32>} : memref<4x200x64xf32, #tpu.memory_space<vmem>>, vector<1x1x16xf32>,
        %get3A_315 = arith.index_cast %select_n3A_305 : i32 to index
        %get3A_316 = arith.constant 16 : index
        %get3A_317 = tpu.vector_load %arg8[%get3A_315, %get3A_316] {strides = array<i32>} : memref<200x64xf32, #tpu.memory_space<vmem>>, vector<1x16xf32>,
        %get3A_318 = vector.shape_cast %get3A_317 : vector<1x16xf32> to vector<16xf32>
        %swap3A_319 = arith.constant 2 : i32
        %swap3A_320 = arith.index_cast %swap3A_319 : i32 to index
        %swap3A_321 = arith.index_cast %scan3A_297 : i32 to index
        %swap3A_322 = arith.constant 16 : index
        %swap3A_323 = tpu.vector_load %arg7[%swap3A_320, %swap3A_321, %swap3A_322] {strides = array<i32>} : memref<4x200x64xf32, #tpu.memory_space<vmem>>, vector<1x1x16xf32>,
        %swap3A_324 = vector.shape_cast %swap3A_323 : vector<1x1x16xf32> to vector<16xf32>
        %swap3A_325 = vector.shape_cast %get3A_318 : vector<16xf32> to vector<1x1x16xf32>
        tpu.vector_store %arg7[%swap3A_320, %swap3A_321, %swap3A_322], %swap3A_325 {add = true, strides = array<i32>} : memref<4x200x64xf32, #tpu.memory_space<vmem>>, vector<1x1x16xf32>,
        %get3A_326 = arith.index_cast %select_n3A_305 : i32 to index
        %get3A_327 = arith.constant 32 : index
        %get3A_328 = tpu.vector_load %arg8[%get3A_326, %get3A_327] {strides = array<i32>} : memref<200x64xf32, #tpu.memory_space<vmem>>, vector<1x16xf32>,
        %get3A_329 = vector.shape_cast %get3A_328 : vector<1x16xf32> to vector<16xf32>
        %swap3A_330 = arith.constant 2 : i32
        %swap3A_331 = arith.index_cast %swap3A_330 : i32 to index
        %swap3A_332 = arith.index_cast %scan3A_297 : i32 to index
        %swap3A_333 = arith.constant 32 : index
        %swap3A_334 = tpu.vector_load %arg7[%swap3A_331, %swap3A_332, %swap3A_333] {strides = array<i32>} : memref<4x200x64xf32, #tpu.memory_space<vmem>>, vector<1x1x16xf32>,
        %swap3A_335 = vector.shape_cast %swap3A_334 : vector<1x1x16xf32> to vector<16xf32>
        %swap3A_336 = vector.shape_cast %get3A_329 : vector<16xf32> to vector<1x1x16xf32>
        tpu.vector_store %arg7[%swap3A_331, %swap3A_332, %swap3A_333], %swap3A_336 {add = true, strides = array<i32>} : memref<4x200x64xf32, #tpu.memory_space<vmem>>, vector<1x1x16xf32>,
        %get3A_337 = arith.index_cast %select_n3A_305 : i32 to index
        %get3A_338 = arith.constant 48 : index
        %get3A_339 = tpu.vector_load %arg8[%get3A_337, %get3A_338] {strides = array<i32>} : memref<200x64xf32, #tpu.memory_space<vmem>>, vector<1x16xf32>,
        %get3A_340 = vector.shape_cast %get3A_339 : vector<1x16xf32> to vector<16xf32>
        %swap3A_341 = arith.constant 2 : i32
        %swap3A_342 = arith.index_cast %swap3A_341 : i32 to index
        %swap3A_343 = arith.index_cast %scan3A_297 : i32 to index
        %swap3A_344 = arith.constant 48 : index
        %swap3A_345 = tpu.vector_load %arg7[%swap3A_342, %swap3A_343, %swap3A_344] {strides = array<i32>} : memref<4x200x64xf32, #tpu.memory_space<vmem>>, vector<1x1x16xf32>,
        %swap3A_346 = vector.shape_cast %swap3A_345 : vector<1x1x16xf32> to vector<16xf32>
        %swap3A_347 = vector.shape_cast %get3A_340 : vector<16xf32> to vector<1x1x16xf32>
        tpu.vector_store %arg7[%swap3A_342, %swap3A_343, %swap3A_344], %swap3A_347 {add = true, strides = array<i32>} : memref<4x200x64xf32, #tpu.memory_space<vmem>>, vector<1x1x16xf32>,
        %scan3A_348 = arith.constant 1 : i32
        %scan3A_349 = arith.addi %scan3A_297, %scan3A_348 : i32
        %add3A_350 = arith.addi %rem3A_224, %scan3A_349 : i32
        %ge3A_351 = arith.constant 200 : i32
        %ge3A_352 = arith.cmpi sge, %add3A_350, %ge3A_351 : i32
        %sub3A_353 = arith.constant 200 : i32
        %sub3A_354 = arith.subi %add3A_350, %sub3A_353 : i32
        %select_n3A_355 = arith.select %ge3A_352, %sub3A_354, %add3A_350 : i32
        %ge3A_356 = arith.constant 200 : i32
        %ge3A_357 = arith.cmpi sge, %select_n3A_355, %ge3A_356 : i32
        %sub3A_358 = arith.constant 200 : i32
        %sub3A_359 = arith.subi %select_n3A_355, %sub3A_358 : i32
        %select_n3A_360 = arith.select %ge3A_357, %sub3A_359, %select_n3A_355 : i32
        %get3A_361 = arith.index_cast %select_n3A_360 : i32 to index
        %get3A_362 = arith.constant 0 : index
        %get3A_363 = tpu.vector_load %arg8[%get3A_361, %get3A_362] {strides = array<i32>} : memref<200x64xf32, #tpu.memory_space<vmem>>, vector<1x16xf32>,
        %get3A_364 = vector.shape_cast %get3A_363 : vector<1x16xf32> to vector<16xf32>
        %swap3A_365 = arith.constant 2 : i32
        %swap3A_366 = arith.index_cast %swap3A_365 : i32 to index
        %swap3A_367 = arith.index_cast %scan3A_349 : i32 to index
        %swap3A_368 = arith.constant 0 : index
        %swap3A_369 = tpu.vector_load %arg7[%swap3A_366, %swap3A_367, %swap3A_368] {strides = array<i32>} : memref<4x200x64xf32, #tpu.memory_space<vmem>>, vector<1x1x16xf32>,
        %swap3A_370 = vector.shape_cast %swap3A_369 : vector<1x1x16xf32> to vector<16xf32>
        %swap3A_371 = vector.shape_cast %get3A_364 : vector<16xf32> to vector<1x1x16xf32>
        tpu.vector_store %arg7[%swap3A_366, %swap3A_367, %swap3A_368], %swap3A_371 {add = true, strides = array<i32>} : memref<4x200x64xf32, #tpu.memory_space<vmem>>, vector<1x1x16xf32>,
        %get3A_372 = arith.index_cast %select_n3A_360 : i32 to index
        %get3A_373 = arith.constant 16 : index
        %get3A_374 = tpu.vector_load %arg8[%get3A_372, %get3A_373] {strides = array<i32>} : memref<200x64xf32, #tpu.memory_space<vmem>>, vector<1x16xf32>,
        %get3A_375 = vector.shape_cast %get3A_374 : vector<1x16xf32> to vector<16xf32>
        %swap3A_376 = arith.constant 2 : i32
        %swap3A_377 = arith.index_cast %swap3A_376 : i32 to index
        %swap3A_378 = arith.index_cast %scan3A_349 : i32 to index
        %swap3A_379 = arith.constant 16 : index
        %swap3A_380 = tpu.vector_load %arg7[%swap3A_377, %swap3A_378, %swap3A_379] {strides = array<i32>} : memref<4x200x64xf32, #tpu.memory_space<vmem>>, vector<1x1x16xf32>,
        %swap3A_381 = vector.shape_cast %swap3A_380 : vector<1x1x16xf32> to vector<16xf32>
        %swap3A_382 = vector.shape_cast %get3A_375 : vector<16xf32> to vector<1x1x16xf32>
        tpu.vector_store %arg7[%swap3A_377, %swap3A_378, %swap3A_379], %swap3A_382 {add = true, strides = array<i32>} : memref<4x200x64xf32, #tpu.memory_space<vmem>>, vector<1x1x16xf32>,
        %get3A_383 = arith.index_cast %select_n3A_360 : i32 to index
        %get3A_384 = arith.constant 32 : index
        %get3A_385 = tpu.vector_load %arg8[%get3A_383, %get3A_384] {strides = array<i32>} : memref<200x64xf32, #tpu.memory_space<vmem>>, vector<1x16xf32>,
        %get3A_386 = vector.shape_cast %get3A_385 : vector<1x16xf32> to vector<16xf32>
        %swap3A_387 = arith.constant 2 : i32
        %swap3A_388 = arith.index_cast %swap3A_387 : i32 to index
        %swap3A_389 = arith.index_cast %scan3A_349 : i32 to index
        %swap3A_390 = arith.constant 32 : index
        %swap3A_391 = tpu.vector_load %arg7[%swap3A_388, %swap3A_389, %swap3A_390] {strides = array<i32>} : memref<4x200x64xf32, #tpu.memory_space<vmem>>, vector<1x1x16xf32>,
        %swap3A_392 = vector.shape_cast %swap3A_391 : vector<1x1x16xf32> to vector<16xf32>
        %swap3A_393 = vector.shape_cast %get3A_386 : vector<16xf32> to vector<1x1x16xf32>
        tpu.vector_store %arg7[%swap3A_388, %swap3A_389, %swap3A_390], %swap3A_393 {add = true, strides = array<i32>} : memref<4x200x64xf32, #tpu.memory_space<vmem>>, vector<1x1x16xf32>,
        %get3A_394 = arith.index_cast %select_n3A_360 : i32 to index
        %get3A_395 = arith.constant 48 : index
        %get3A_396 = tpu.vector_load %arg8[%get3A_394, %get3A_395] {strides = array<i32>} : memref<200x64xf32, #tpu.memory_space<vmem>>, vector<1x16xf32>,
        %get3A_397 = vector.shape_cast %get3A_396 : vector<1x16xf32> to vector<16xf32>
        %swap3A_398 = arith.constant 2 : i32
        %swap3A_399 = arith.index_cast %swap3A_398 : i32 to index
        %swap3A_400 = arith.index_cast %scan3A_349 : i32 to index
        %swap3A_401 = arith.constant 48 : index
        %swap3A_402 = tpu.vector_load %arg7[%swap3A_399, %swap3A_400, %swap3A_401] {strides = array<i32>} : memref<4x200x64xf32, #tpu.memory_space<vmem>>, vector<1x1x16xf32>,
        %swap3A_403 = vector.shape_cast %swap3A_402 : vector<1x1x16xf32> to vector<16xf32>
        %swap3A_404 = vector.shape_cast %get3A_397 : vector<16xf32> to vector<1x1x16xf32>
        tpu.vector_store %arg7[%swap3A_399, %swap3A_400, %swap3A_401], %swap3A_404 {add = true, strides = array<i32>} : memref<4x200x64xf32, #tpu.memory_space<vmem>>, vector<1x1x16xf32>,
        %scan3A_405 = arith.constant 2 : i32
        %scan3A_406 = arith.addi %scan3A_297, %scan3A_405 : i32
        %add3A_407 = arith.addi %rem3A_224, %scan3A_406 : i32
        %ge3A_408 = arith.constant 200 : i32
        %ge3A_409 = arith.cmpi sge, %add3A_407, %ge3A_408 : i32
        %sub3A_410 = arith.constant 200 : i32
        %sub3A_411 = arith.subi %add3A_407, %sub3A_410 : i32
        %select_n3A_412 = arith.select %ge3A_409, %sub3A_411, %add3A_407 : i32
        %ge3A_413 = arith.constant 200 : i32
        %ge3A_414 = arith.cmpi sge, %select_n3A_412, %ge3A_413 : i32
        %sub3A_415 = arith.constant 200 : i32
        %sub3A_416 = arith.subi %select_n3A_412, %sub3A_415 : i32
        %select_n3A_417 = arith.select %ge3A_414, %sub3A_416, %select_n3A_412 : i32
        %get3A_418 = arith.index_cast %select_n3A_417 : i32 to index
        %get3A_419 = arith.constant 0 : index
        %get3A_420 = tpu.vector_load %arg8[%get3A_418, %get3A_419] {strides = array<i32>} : memref<200x64xf32, #tpu.memory_space<vmem>>, vector<1x16xf32>,
        %get3A_421 = vector.shape_cast %get3A_420 : vector<1x16xf32> to vector<16xf32>
        %swap3A_422 = arith.constant 2 : i32
        %swap3A_423 = arith.index_cast %swap3A_422 : i32 to index
        %swap3A_424 = arith.index_cast %scan3A_406 : i32 to index
        %swap3A_425 = arith.constant 0 : index
        %swap3A_426 = tpu.vector_load %arg7[%swap3A_423, %swap3A_424, %swap3A_425] {strides = array<i32>} : memref<4x200x64xf32, #tpu.memory_space<vmem>>, vector<1x1x16xf32>,
        %swap3A_427 = vector.shape_cast %swap3A_426 : vector<1x1x16xf32> to vector<16xf32>
        %swap3A_428 = vector.shape_cast %get3A_421 : vector<16xf32> to vector<1x1x16xf32>
        tpu.vector_store %arg7[%swap3A_423, %swap3A_424, %swap3A_425], %swap3A_428 {add = true, strides = array<i32>} : memref<4x200x64xf32, #tpu.memory_space<vmem>>, vector<1x1x16xf32>,
        %get3A_429 = arith.index_cast %select_n3A_417 : i32 to index
        %get3A_430 = arith.constant 16 : index
        %get3A_431 = tpu.vector_load %arg8[%get3A_429, %get3A_430] {strides = array<i32>} : memref<200x64xf32, #tpu.memory_space<vmem>>, vector<1x16xf32>,
        %get3A_432 = vector.shape_cast %get3A_431 : vector<1x16xf32> to vector<16xf32>
        %swap3A_433 = arith.constant 2 : i32
        %swap3A_434 = arith.index_cast %swap3A_433 : i32 to index
        %swap3A_435 = arith.index_cast %scan3A_406 : i32 to index
        %swap3A_436 = arith.constant 16 : index
        %swap3A_437 = tpu.vector_load %arg7[%swap3A_434, %swap3A_435, %swap3A_436] {strides = array<i32>} : memref<4x200x64xf32, #tpu.memory_space<vmem>>, vector<1x1x16xf32>,
        %swap3A_438 = vector.shape_cast %swap3A_437 : vector<1x1x16xf32> to vector<16xf32>
        %swap3A_439 = vector.shape_cast %get3A_432 : vector<16xf32> to vector<1x1x16xf32>
        tpu.vector_store %arg7[%swap3A_434, %swap3A_435, %swap3A_436], %swap3A_439 {add = true, strides = array<i32>} : memref<4x200x64xf32, #tpu.memory_space<vmem>>, vector<1x1x16xf32>,
        %get3A_440 = arith.index_cast %select_n3A_417 : i32 to index
        %get3A_441 = arith.constant 32 : index
        %get3A_442 = tpu.vector_load %arg8[%get3A_440, %get3A_441] {strides = array<i32>} : memref<200x64xf32, #tpu.memory_space<vmem>>, vector<1x16xf32>,
        %get3A_443 = vector.shape_cast %get3A_442 : vector<1x16xf32> to vector<16xf32>
        %swap3A_444 = arith.constant 2 : i32
        %swap3A_445 = arith.index_cast %swap3A_444 : i32 to index
        %swap3A_446 = arith.index_cast %scan3A_406 : i32 to index
        %swap3A_447 = arith.constant 32 : index
        %swap3A_448 = tpu.vector_load %arg7[%swap3A_445, %swap3A_446, %swap3A_447] {strides = array<i32>} : memref<4x200x64xf32, #tpu.memory_space<vmem>>, vector<1x1x16xf32>,
        %swap3A_449 = vector.shape_cast %swap3A_448 : vector<1x1x16xf32> to vector<16xf32>
        %swap3A_450 = vector.shape_cast %get3A_443 : vector<16xf32> to vector<1x1x16xf32>
        tpu.vector_store %arg7[%swap3A_445, %swap3A_446, %swap3A_447], %swap3A_450 {add = true, strides = array<i32>} : memref<4x200x64xf32, #tpu.memory_space<vmem>>, vector<1x1x16xf32>,
        %get3A_451 = arith.index_cast %select_n3A_417 : i32 to index
        %get3A_452 = arith.constant 48 : index
        %get3A_453 = tpu.vector_load %arg8[%get3A_451, %get3A_452] {strides = array<i32>} : memref<200x64xf32, #tpu.memory_space<vmem>>, vector<1x16xf32>,
        %get3A_454 = vector.shape_cast %get3A_453 : vector<1x16xf32> to vector<16xf32>
        %swap3A_455 = arith.constant 2 : i32
        %swap3A_456 = arith.index_cast %swap3A_455 : i32 to index
        %swap3A_457 = arith.index_cast %scan3A_406 : i32 to index
        %swap3A_458 = arith.constant 48 : index
        %swap3A_459 = tpu.vector_load %arg7[%swap3A_456, %swap3A_457, %swap3A_458] {strides = array<i32>} : memref<4x200x64xf32, #tpu.memory_space<vmem>>, vector<1x1x16xf32>,
        %swap3A_460 = vector.shape_cast %swap3A_459 : vector<1x1x16xf32> to vector<16xf32>
        %swap3A_461 = vector.shape_cast %get3A_454 : vector<16xf32> to vector<1x1x16xf32>
        tpu.vector_store %arg7[%swap3A_456, %swap3A_457, %swap3A_458], %swap3A_461 {add = true, strides = array<i32>} : memref<4x200x64xf32, #tpu.memory_space<vmem>>, vector<1x1x16xf32>,
        %scan3A_462 = arith.constant 3 : i32
        %scan3A_463 = arith.addi %scan3A_297, %scan3A_462 : i32
        %add3A_464 = arith.addi %rem3A_224, %scan3A_463 : i32
        %ge3A_465 = arith.constant 200 : i32
        %ge3A_466 = arith.cmpi sge, %add3A_464, %ge3A_465 : i32
        %sub3A_467 = arith.constant 200 : i32
        %sub3A_468 = arith.subi %add3A_464, %sub3A_467 : i32
        %select_n3A_469 = arith.select %ge3A_466, %sub3A_468, %add3A_464 : i32
        %ge3A_470 = arith.constant 200 : i32
        %ge3A_471 = arith.cmpi sge, %select_n3A_469, %ge3A_470 : i32
        %sub3A_472 = arith.constant 200 : i32
        %sub3A_473 = arith.subi %select_n3A_469, %sub3A_472 : i32
        %select_n3A_474 = arith.select %ge3A_471, %sub3A_473, %select_n3A_469 : i32
        %get3A_475 = arith.index_cast %select_n3A_474 : i32 to index
        %get3A_476 = arith.constant 0 : index
        %get3A_477 = tpu.vector_load %arg8[%get3A_475, %get3A_476] {strides = array<i32>} : memref<200x64xf32, #tpu.memory_space<vmem>>, vector<1x16xf32>,
        %get3A_478 = vector.shape_cast %get3A_477 : vector<1x16xf32> to vector<16xf32>
        %swap3A_479 = arith.constant 2 : i32
        %swap3A_480 = arith.index_cast %swap3A_479 : i32 to index
        %swap3A_481 = arith.index_cast %scan3A_463 : i32 to index
        %swap3A_482 = arith.constant 0 : index
        %swap3A_483 = tpu.vector_load %arg7[%swap3A_480, %swap3A_481, %swap3A_482] {strides = array<i32>} : memref<4x200x64xf32, #tpu.memory_space<vmem>>, vector<1x1x16xf32>,
        %swap3A_484 = vector.shape_cast %swap3A_483 : vector<1x1x16xf32> to vector<16xf32>
        %swap3A_485 = vector.shape_cast %get3A_478 : vector<16xf32> to vector<1x1x16xf32>
        tpu.vector_store %arg7[%swap3A_480, %swap3A_481, %swap3A_482], %swap3A_485 {add = true, strides = array<i32>} : memref<4x200x64xf32, #tpu.memory_space<vmem>>, vector<1x1x16xf32>,
        %get3A_486 = arith.index_cast %select_n3A_474 : i32 to index
        %get3A_487 = arith.constant 16 : index
        %get3A_488 = tpu.vector_load %arg8[%get3A_486, %get3A_487] {strides = array<i32>} : memref<200x64xf32, #tpu.memory_space<vmem>>, vector<1x16xf32>,
        %get3A_489 = vector.shape_cast %get3A_488 : vector<1x16xf32> to vector<16xf32>
        %swap3A_490 = arith.constant 2 : i32
        %swap3A_491 = arith.index_cast %swap3A_490 : i32 to index
        %swap3A_492 = arith.index_cast %scan3A_463 : i32 to index
        %swap3A_493 = arith.constant 16 : index
        %swap3A_494 = tpu.vector_load %arg7[%swap3A_491, %swap3A_492, %swap3A_493] {strides = array<i32>} : memref<4x200x64xf32, #tpu.memory_space<vmem>>, vector<1x1x16xf32>,
        %swap3A_495 = vector.shape_cast %swap3A_494 : vector<1x1x16xf32> to vector<16xf32>
        %swap3A_496 = vector.shape_cast %get3A_489 : vector<16xf32> to vector<1x1x16xf32>
        tpu.vector_store %arg7[%swap3A_491, %swap3A_492, %swap3A_493], %swap3A_496 {add = true, strides = array<i32>} : memref<4x200x64xf32, #tpu.memory_space<vmem>>, vector<1x1x16xf32>,
        %get3A_497 = arith.index_cast %select_n3A_474 : i32 to index
        %get3A_498 = arith.constant 32 : index
        %get3A_499 = tpu.vector_load %arg8[%get3A_497, %get3A_498] {strides = array<i32>} : memref<200x64xf32, #tpu.memory_space<vmem>>, vector<1x16xf32>,
        %get3A_500 = vector.shape_cast %get3A_499 : vector<1x16xf32> to vector<16xf32>
        %swap3A_501 = arith.constant 2 : i32
        %swap3A_502 = arith.index_cast %swap3A_501 : i32 to index
        %swap3A_503 = arith.index_cast %scan3A_463 : i32 to index
        %swap3A_504 = arith.constant 32 : index
        %swap3A_505 = tpu.vector_load %arg7[%swap3A_502, %swap3A_503, %swap3A_504] {strides = array<i32>} : memref<4x200x64xf32, #tpu.memory_space<vmem>>, vector<1x1x16xf32>,
        %swap3A_506 = vector.shape_cast %swap3A_505 : vector<1x1x16xf32> to vector<16xf32>
        %swap3A_507 = vector.shape_cast %get3A_500 : vector<16xf32> to vector<1x1x16xf32>
        tpu.vector_store %arg7[%swap3A_502, %swap3A_503, %swap3A_504], %swap3A_507 {add = true, strides = array<i32>} : memref<4x200x64xf32, #tpu.memory_space<vmem>>, vector<1x1x16xf32>,
        %get3A_508 = arith.index_cast %select_n3A_474 : i32 to index
        %get3A_509 = arith.constant 48 : index
        %get3A_510 = tpu.vector_load %arg8[%get3A_508, %get3A_509] {strides = array<i32>} : memref<200x64xf32, #tpu.memory_space<vmem>>, vector<1x16xf32>,
        %get3A_511 = vector.shape_cast %get3A_510 : vector<1x16xf32> to vector<16xf32>
        %swap3A_512 = arith.constant 2 : i32
        %swap3A_513 = arith.index_cast %swap3A_512 : i32 to index
        %swap3A_514 = arith.index_cast %scan3A_463 : i32 to index
        %swap3A_515 = arith.constant 48 : index
        %swap3A_516 = tpu.vector_load %arg7[%swap3A_513, %swap3A_514, %swap3A_515] {strides = array<i32>} : memref<4x200x64xf32, #tpu.memory_space<vmem>>, vector<1x1x16xf32>,
        %swap3A_517 = vector.shape_cast %swap3A_516 : vector<1x1x16xf32> to vector<16xf32>
        %swap3A_518 = vector.shape_cast %get3A_511 : vector<16xf32> to vector<1x1x16xf32>
        tpu.vector_store %arg7[%swap3A_513, %swap3A_514, %swap3A_515], %swap3A_518 {add = true, strides = array<i32>} : memref<4x200x64xf32, #tpu.memory_space<vmem>>, vector<1x1x16xf32>,
      }
      %scan3A_230 = arith.constant 200 : i32
      %mul3A_231 = arith.constant 200 : i32
      %mul3A_232 = arith.muli %add3A_198, %mul3A_231 : i32
      %add3A_233 = arith.addi %mul3A_2, %mul3A_232 : i32
      %dma_start3A_234 = arith.constant 2 : i32
      %dma_start3A_235 = arith.constant 0 : i32
      %dma_start3A_236 = arith.constant 0 : i32
      %dma_start3A_237 = tpu.memref_slice %arg7[%dma_start3A_234, %dma_start3A_235, %dma_start3A_236] : memref<4x200x64xf32, #tpu.memory_space<vmem>> -> memref<1x200x64xf32, #tpu.memory_space<vmem>>
      %dma_start3A_238 = tpu.memref_squeeze %dma_start3A_237 : memref<1x200x64xf32, #tpu.memory_space<vmem>> -> memref<200x64xf32, #tpu.memory_space<vmem>>
      %dma_start3A_239 = arith.constant 0 : i32
      %dma_start3A_240 = tpu.memref_slice %arg5[%add3A_233, %dma_start3A_239] : memref<819200x128xf32, #tpu.memory_space<hbm>> -> memref<200x64xf32, #tpu.memory_space<hbm>>
      %dma_start3A_241 = arith.constant 0 : i32
      %dma_start3A_242 = tpu.memref_slice %arg5[%add3A_233, %dma_start3A_241] : memref<819200x128xf32, #tpu.memory_space<hbm>> -> memref<200x64xf32, #tpu.memory_space<hbm>>
      %dma_start3A_243 = arith.constant 0 : i32
      %dma_start3A_244 = arith.constant 0 : i32
      %dma_start3A_245 = tpu.memref_slice %arg7[%dma_start3A_234, %dma_start3A_243, %dma_start3A_244] : memref<4x200x64xf32, #tpu.memory_space<vmem>> -> memref<1x200x64xf32, #tpu.memory_space<vmem>>
      %dma_start3A_246 = tpu.memref_squeeze %dma_start3A_245 : memref<1x200x64xf32, #tpu.memory_space<vmem>> -> memref<200x64xf32, #tpu.memory_space<vmem>>
      tpu.enqueue_dma source(%dma_start3A_246 : memref<200x64xf32, #tpu.memory_space<vmem>>) target(%dma_start3A_242 : memref<200x64xf32, #tpu.memory_space<hbm>>) target_semaphore(%arg15 : memref<!tpu.dma_semaphore, #tpu.memory_space<semaphore_mem>>)
      %add3A_247 = arith.constant 3 : i32
      %add3A_248 = arith.addi %mul3A_100, %add3A_247 : i32
      %add3A_249 = arith.constant 2 : i32
      %add3A_250 = arith.addi %add3A_248, %add3A_249 : i32
      %lt3A_251 = arith.constant 128 : i32
      %lt3A_252 = arith.cmpi slt, %add3A_250, %lt3A_251 : i32
      %convert_element_type3A_253 = arith.extui %lt3A_252 : i1 to i32
      %cond3A_254 = arith.constant 0 : i32
      %cond3A_255 = arith.cmpi ne, %convert_element_type3A_253, %cond3A_254 : i32
      scf.if %cond3A_255 {
        %ge3A = arith.constant 2 : i32
        %ge3A_297 = arith.cmpi sge, %add3A_248, %ge3A : i32
        %convert_element_type3A_298 = arith.extui %ge3A_297 : i1 to i32
        %cond3A_299 = arith.constant 0 : i32
        %cond3A_300 = arith.cmpi ne, %convert_element_type3A_298, %cond3A_299 : i32
        scf.if %cond3A_300 {
          %dma_wait3A_327 = arith.constant 1 : i32
          %dma_wait3A_328 = arith.constant 0 : i32
          %dma_wait3A_329 = arith.constant 0 : i32
          %dma_wait3A_330 = tpu.memref_slice %arg7[%dma_wait3A_327, %dma_wait3A_328, %dma_wait3A_329] : memref<4x200x64xf32, #tpu.memory_space<vmem>> -> memref<1x200x64xf32, #tpu.memory_space<vmem>>
          %dma_wait3A_331 = tpu.memref_squeeze %dma_wait3A_330 : memref<1x200x64xf32, #tpu.memory_space<vmem>> -> memref<200x64xf32, #tpu.memory_space<vmem>>
          %dma_wait3A_332 = arith.constant 0 : i32
          %dma_wait3A_333 = tpu.memref_slice %arg5[%mul3A_2, %dma_wait3A_332] : memref<819200x128xf32, #tpu.memory_space<hbm>> -> memref<200x64xf32, #tpu.memory_space<hbm>>
          %dma_wait3A_334 = arith.constant 0 : i32
          %dma_wait3A_335 = tpu.memref_slice %arg5[%mul3A_2, %dma_wait3A_334] : memref<819200x128xf32, #tpu.memory_space<hbm>> -> memref<200x64xf32, #tpu.memory_space<hbm>>
          %dma_wait3A_336 = arith.constant 0 : i32
          %dma_wait3A_337 = arith.constant 0 : i32
          %dma_wait3A_338 = tpu.memref_slice %arg7[%dma_wait3A_327, %dma_wait3A_336, %dma_wait3A_337] : memref<4x200x64xf32, #tpu.memory_space<vmem>> -> memref<1x200x64xf32, #tpu.memory_space<vmem>>
          %dma_wait3A_339 = tpu.memref_squeeze %dma_wait3A_338 : memref<1x200x64xf32, #tpu.memory_space<vmem>> -> memref<200x64xf32, #tpu.memory_space<vmem>>
          tpu.wait_dma2 semaphore(%arg14 : memref<!tpu.dma_semaphore, #tpu.memory_space<semaphore_mem>>) src(%dma_wait3A_339 : memref<200x64xf32, #tpu.memory_space<vmem>>) dst(%dma_wait3A_335 : memref<200x64xf32, #tpu.memory_space<hbm>>)
        } else {
        }
        %mul3A_301 = arith.constant 200 : i32
        %mul3A_302 = arith.muli %add3A_250, %mul3A_301 : i32
        %add3A_303 = arith.constant 0 : i32
        %add3A_304 = arith.addi %mul3A_302, %add3A_303 : i32
        %dma_start3A_305 = arith.constant 1 : i32
        %dma_start3A_306 = arith.constant 0 : i32
        %dma_start3A_307 = arith.constant 0 : i32
        %dma_start3A_308 = tpu.memref_slice %arg7[%dma_start3A_305, %dma_start3A_306, %dma_start3A_307] : memref<4x200x64xf32, #tpu.memory_space<vmem>> -> memref<1x128x64xf32, #tpu.memory_space<vmem>>
        %dma_start3A_309 = tpu.memref_squeeze %dma_start3A_308 : memref<1x128x64xf32, #tpu.memory_space<vmem>> -> memref<128x64xf32, #tpu.memory_space<vmem>>
        %dma_start3A_310 = tpu.memref_slice %arg6[%add3A_304] : memref<25600xi32, #tpu.memory_space<vmem>> -> memref<128xi32, #tpu.memory_space<vmem>>
        %dma_start3A_311 = arith.constant 0 : i32
        %dma_start3A_312 = arith.constant 0 : i32
        %dma_start3A_313 = tpu.memref_slice %arg3[%dma_start3A_311, %dma_start3A_312] : memref<1000000x64xf32, #tpu.memory_space<hbm>> -> memref<1000000x64xf32, #tpu.memory_space<hbm>>
        tpu.enqueue_indirect_dma source(%dma_start3A_313 : memref<1000000x64xf32, #tpu.memory_space<hbm>>) target(%dma_start3A_309 : memref<128x64xf32, #tpu.memory_space<vmem>>) offsets(%dma_start3A_310 : memref<128xi32, #tpu.memory_space<vmem>>) semaphore(%arg10 : memref<!tpu.dma_semaphore, #tpu.memory_space<semaphore_mem>>)
        %mul3A_314 = arith.constant 200 : i32
        %mul3A_315 = arith.muli %add3A_250, %mul3A_314 : i32
        %add3A_316 = arith.constant 128 : i32
        %add3A_317 = arith.addi %mul3A_315, %add3A_316 : i32
        %dma_start3A_318 = arith.constant 1 : i32
        %dma_start3A_319 = arith.constant 128 : i32
        %dma_start3A_320 = arith.constant 0 : i32
        %dma_start3A_321 = tpu.memref_slice %arg7[%dma_start3A_318, %dma_start3A_319, %dma_start3A_320] : memref<4x200x64xf32, #tpu.memory_space<vmem>> -> memref<1x72x64xf32, #tpu.memory_space<vmem>>
        %dma_start3A_322 = tpu.memref_squeeze %dma_start3A_321 : memref<1x72x64xf32, #tpu.memory_space<vmem>> -> memref<72x64xf32, #tpu.memory_space<vmem>>
        %dma_start3A_323 = tpu.memref_slice %arg6[%add3A_317] : memref<25600xi32, #tpu.memory_space<vmem>> -> memref<72xi32, #tpu.memory_space<vmem>>
        %dma_start3A_324 = arith.constant 0 : i32
        %dma_start3A_325 = arith.constant 0 : i32
        %dma_start3A_326 = tpu.memref_slice %arg3[%dma_start3A_324, %dma_start3A_325] : memref<1000000x64xf32, #tpu.memory_space<hbm>> -> memref<1000000x64xf32, #tpu.memory_space<hbm>>
        tpu.enqueue_indirect_dma source(%dma_start3A_326 : memref<1000000x64xf32, #tpu.memory_space<hbm>>) target(%dma_start3A_322 : memref<72x64xf32, #tpu.memory_space<vmem>>) offsets(%dma_start3A_323 : memref<72xi32, #tpu.memory_space<vmem>>) semaphore(%arg10 : memref<!tpu.dma_semaphore, #tpu.memory_space<semaphore_mem>>)
      } else {
      }
      %dma_wait3A_256 = arith.constant 3 : i32
      %dma_wait3A_257 = arith.constant 0 : i32
      %dma_wait3A_258 = arith.constant 0 : i32
      %dma_wait3A_259 = tpu.memref_slice %arg7[%dma_wait3A_256, %dma_wait3A_257, %dma_wait3A_258] : memref<4x200x64xf32, #tpu.memory_space<vmem>> -> memref<1x200x64xf32, #tpu.memory_space<vmem>>
      %dma_wait3A_260 = tpu.memref_squeeze %dma_wait3A_259 : memref<1x200x64xf32, #tpu.memory_space<vmem>> -> memref<200x64xf32, #tpu.memory_space<vmem>>
      %dma_wait3A_261 = arith.constant 0 : i32
      %dma_wait3A_262 = arith.constant 0 : i32
      %dma_wait3A_263 = tpu.memref_slice %arg5[%dma_wait3A_261, %dma_wait3A_262] : memref<819200x128xf32, #tpu.memory_space<hbm>> -> memref<200x64xf32, #tpu.memory_space<hbm>>
      %dma_wait3A_264 = arith.constant 0 : i32
      %dma_wait3A_265 = arith.constant 0 : i32
      %dma_wait3A_266 = tpu.memref_slice %arg7[%dma_wait3A_256, %dma_wait3A_264, %dma_wait3A_265] : memref<4x200x64xf32, #tpu.memory_space<vmem>> -> memref<1x200x64xf32, #tpu.memory_space<vmem>>
      %dma_wait3A_267 = tpu.memref_squeeze %dma_wait3A_266 : memref<1x200x64xf32, #tpu.memory_space<vmem>> -> memref<200x64xf32, #tpu.memory_space<vmem>>
      %dma_wait3A_268 = arith.constant 0 : i32
      %dma_wait3A_269 = arith.constant 0 : i32
      %dma_wait3A_270 = tpu.memref_slice %arg5[%dma_wait3A_268, %dma_wait3A_269] : memref<819200x128xf32, #tpu.memory_space<hbm>> -> memref<200x64xf32, #tpu.memory_space<hbm>>
      tpu.wait_dma2 semaphore(%arg12 : memref<!tpu.dma_semaphore, #tpu.memory_space<semaphore_mem>>) src(%dma_wait3A_270 : memref<200x64xf32, #tpu.memory_space<hbm>>) dst(%dma_wait3A_267 : memref<200x64xf32, #tpu.memory_space<vmem>>)
      %mul3A_271 = arith.constant 200 : i32
      %mul3A_272 = arith.muli %add3A_248, %mul3A_271 : i32
      %rem3A_273 = arith.constant 200 : i32
      %rem3A_274 = arith.remsi %mul3A_272, %rem3A_273 : i32
      %scan3A_275 = arith.constant 0 : i32
      %scan3A_276 = arith.constant 0 : i32
      %scan3A_277 = arith.constant 200 : i32
      %scan3A_278 = arith.addi %scan3A_276, %scan3A_277 : i32
      %scan3A_279 = arith.constant 4 : i32
      scf.for %scan3A_297 = %scan3A_276 to %scan3A_278 step %scan3A_279  : i32 {
        %add3A_298 = arith.addi %rem3A_274, %scan3A_297 : i32
        %ge3A = arith.constant 200 : i32
        %ge3A_299 = arith.cmpi sge, %add3A_298, %ge3A : i32
        %sub3A = arith.constant 200 : i32
        %sub3A_300 = arith.subi %add3A_298, %sub3A : i32
        %select_n3A = arith.select %ge3A_299, %sub3A_300, %add3A_298 : i32
        %ge3A_301 = arith.constant 200 : i32
        %ge3A_302 = arith.cmpi sge, %select_n3A, %ge3A_301 : i32
        %sub3A_303 = arith.constant 200 : i32
        %sub3A_304 = arith.subi %select_n3A, %sub3A_303 : i32
        %select_n3A_305 = arith.select %ge3A_302, %sub3A_304, %select_n3A : i32
        %get3A = arith.index_cast %select_n3A_305 : i32 to index
        %get3A_306 = arith.constant 0 : index
        %get3A_307 = tpu.vector_load %arg8[%get3A, %get3A_306] {strides = array<i32>} : memref<200x64xf32, #tpu.memory_space<vmem>>, vector<1x16xf32>,
        %get3A_308 = vector.shape_cast %get3A_307 : vector<1x16xf32> to vector<16xf32>
        %swap3A = arith.constant 3 : i32
        %swap3A_309 = arith.index_cast %swap3A : i32 to index
        %swap3A_310 = arith.index_cast %scan3A_297 : i32 to index
        %swap3A_311 = arith.constant 0 : index
        %swap3A_312 = tpu.vector_load %arg7[%swap3A_309, %swap3A_310, %swap3A_311] {strides = array<i32>} : memref<4x200x64xf32, #tpu.memory_space<vmem>>, vector<1x1x16xf32>,
        %swap3A_313 = vector.shape_cast %swap3A_312 : vector<1x1x16xf32> to vector<16xf32>
        %swap3A_314 = vector.shape_cast %get3A_308 : vector<16xf32> to vector<1x1x16xf32>
        tpu.vector_store %arg7[%swap3A_309, %swap3A_310, %swap3A_311], %swap3A_314 {add = true, strides = array<i32>} : memref<4x200x64xf32, #tpu.memory_space<vmem>>, vector<1x1x16xf32>,
        %get3A_315 = arith.index_cast %select_n3A_305 : i32 to index
        %get3A_316 = arith.constant 16 : index
        %get3A_317 = tpu.vector_load %arg8[%get3A_315, %get3A_316] {strides = array<i32>} : memref<200x64xf32, #tpu.memory_space<vmem>>, vector<1x16xf32>,
        %get3A_318 = vector.shape_cast %get3A_317 : vector<1x16xf32> to vector<16xf32>
        %swap3A_319 = arith.constant 3 : i32
        %swap3A_320 = arith.index_cast %swap3A_319 : i32 to index
        %swap3A_321 = arith.index_cast %scan3A_297 : i32 to index
        %swap3A_322 = arith.constant 16 : index
        %swap3A_323 = tpu.vector_load %arg7[%swap3A_320, %swap3A_321, %swap3A_322] {strides = array<i32>} : memref<4x200x64xf32, #tpu.memory_space<vmem>>, vector<1x1x16xf32>,
        %swap3A_324 = vector.shape_cast %swap3A_323 : vector<1x1x16xf32> to vector<16xf32>
        %swap3A_325 = vector.shape_cast %get3A_318 : vector<16xf32> to vector<1x1x16xf32>
        tpu.vector_store %arg7[%swap3A_320, %swap3A_321, %swap3A_322], %swap3A_325 {add = true, strides = array<i32>} : memref<4x200x64xf32, #tpu.memory_space<vmem>>, vector<1x1x16xf32>,
        %get3A_326 = arith.index_cast %select_n3A_305 : i32 to index
        %get3A_327 = arith.constant 32 : index
        %get3A_328 = tpu.vector_load %arg8[%get3A_326, %get3A_327] {strides = array<i32>} : memref<200x64xf32, #tpu.memory_space<vmem>>, vector<1x16xf32>,
        %get3A_329 = vector.shape_cast %get3A_328 : vector<1x16xf32> to vector<16xf32>
        %swap3A_330 = arith.constant 3 : i32
        %swap3A_331 = arith.index_cast %swap3A_330 : i32 to index
        %swap3A_332 = arith.index_cast %scan3A_297 : i32 to index
        %swap3A_333 = arith.constant 32 : index
        %swap3A_334 = tpu.vector_load %arg7[%swap3A_331, %swap3A_332, %swap3A_333] {strides = array<i32>} : memref<4x200x64xf32, #tpu.memory_space<vmem>>, vector<1x1x16xf32>,
        %swap3A_335 = vector.shape_cast %swap3A_334 : vector<1x1x16xf32> to vector<16xf32>
        %swap3A_336 = vector.shape_cast %get3A_329 : vector<16xf32> to vector<1x1x16xf32>
        tpu.vector_store %arg7[%swap3A_331, %swap3A_332, %swap3A_333], %swap3A_336 {add = true, strides = array<i32>} : memref<4x200x64xf32, #tpu.memory_space<vmem>>, vector<1x1x16xf32>,
        %get3A_337 = arith.index_cast %select_n3A_305 : i32 to index
        %get3A_338 = arith.constant 48 : index
        %get3A_339 = tpu.vector_load %arg8[%get3A_337, %get3A_338] {strides = array<i32>} : memref<200x64xf32, #tpu.memory_space<vmem>>, vector<1x16xf32>,
        %get3A_340 = vector.shape_cast %get3A_339 : vector<1x16xf32> to vector<16xf32>
        %swap3A_341 = arith.constant 3 : i32
        %swap3A_342 = arith.index_cast %swap3A_341 : i32 to index
        %swap3A_343 = arith.index_cast %scan3A_297 : i32 to index
        %swap3A_344 = arith.constant 48 : index
        %swap3A_345 = tpu.vector_load %arg7[%swap3A_342, %swap3A_343, %swap3A_344] {strides = array<i32>} : memref<4x200x64xf32, #tpu.memory_space<vmem>>, vector<1x1x16xf32>,
        %swap3A_346 = vector.shape_cast %swap3A_345 : vector<1x1x16xf32> to vector<16xf32>
        %swap3A_347 = vector.shape_cast %get3A_340 : vector<16xf32> to vector<1x1x16xf32>
        tpu.vector_store %arg7[%swap3A_342, %swap3A_343, %swap3A_344], %swap3A_347 {add = true, strides = array<i32>} : memref<4x200x64xf32, #tpu.memory_space<vmem>>, vector<1x1x16xf32>,
        %scan3A_348 = arith.constant 1 : i32
        %scan3A_349 = arith.addi %scan3A_297, %scan3A_348 : i32
        %add3A_350 = arith.addi %rem3A_274, %scan3A_349 : i32
        %ge3A_351 = arith.constant 200 : i32
        %ge3A_352 = arith.cmpi sge, %add3A_350, %ge3A_351 : i32
        %sub3A_353 = arith.constant 200 : i32
        %sub3A_354 = arith.subi %add3A_350, %sub3A_353 : i32
        %select_n3A_355 = arith.select %ge3A_352, %sub3A_354, %add3A_350 : i32
        %ge3A_356 = arith.constant 200 : i32
        %ge3A_357 = arith.cmpi sge, %select_n3A_355, %ge3A_356 : i32
        %sub3A_358 = arith.constant 200 : i32
        %sub3A_359 = arith.subi %select_n3A_355, %sub3A_358 : i32
        %select_n3A_360 = arith.select %ge3A_357, %sub3A_359, %select_n3A_355 : i32
        %get3A_361 = arith.index_cast %select_n3A_360 : i32 to index
        %get3A_362 = arith.constant 0 : index
        %get3A_363 = tpu.vector_load %arg8[%get3A_361, %get3A_362] {strides = array<i32>} : memref<200x64xf32, #tpu.memory_space<vmem>>, vector<1x16xf32>,
        %get3A_364 = vector.shape_cast %get3A_363 : vector<1x16xf32> to vector<16xf32>
        %swap3A_365 = arith.constant 3 : i32
        %swap3A_366 = arith.index_cast %swap3A_365 : i32 to index
        %swap3A_367 = arith.index_cast %scan3A_349 : i32 to index
        %swap3A_368 = arith.constant 0 : index
        %swap3A_369 = tpu.vector_load %arg7[%swap3A_366, %swap3A_367, %swap3A_368] {strides = array<i32>} : memref<4x200x64xf32, #tpu.memory_space<vmem>>, vector<1x1x16xf32>,
        %swap3A_370 = vector.shape_cast %swap3A_369 : vector<1x1x16xf32> to vector<16xf32>
        %swap3A_371 = vector.shape_cast %get3A_364 : vector<16xf32> to vector<1x1x16xf32>
        tpu.vector_store %arg7[%swap3A_366, %swap3A_367, %swap3A_368], %swap3A_371 {add = true, strides = array<i32>} : memref<4x200x64xf32, #tpu.memory_space<vmem>>, vector<1x1x16xf32>,
        %get3A_372 = arith.index_cast %select_n3A_360 : i32 to index
        %get3A_373 = arith.constant 16 : index
        %get3A_374 = tpu.vector_load %arg8[%get3A_372, %get3A_373] {strides = array<i32>} : memref<200x64xf32, #tpu.memory_space<vmem>>, vector<1x16xf32>,
        %get3A_375 = vector.shape_cast %get3A_374 : vector<1x16xf32> to vector<16xf32>
        %swap3A_376 = arith.constant 3 : i32
        %swap3A_377 = arith.index_cast %swap3A_376 : i32 to index
        %swap3A_378 = arith.index_cast %scan3A_349 : i32 to index
        %swap3A_379 = arith.constant 16 : index
        %swap3A_380 = tpu.vector_load %arg7[%swap3A_377, %swap3A_378, %swap3A_379] {strides = array<i32>} : memref<4x200x64xf32, #tpu.memory_space<vmem>>, vector<1x1x16xf32>,
        %swap3A_381 = vector.shape_cast %swap3A_380 : vector<1x1x16xf32> to vector<16xf32>
        %swap3A_382 = vector.shape_cast %get3A_375 : vector<16xf32> to vector<1x1x16xf32>
        tpu.vector_store %arg7[%swap3A_377, %swap3A_378, %swap3A_379], %swap3A_382 {add = true, strides = array<i32>} : memref<4x200x64xf32, #tpu.memory_space<vmem>>, vector<1x1x16xf32>,
        %get3A_383 = arith.index_cast %select_n3A_360 : i32 to index
        %get3A_384 = arith.constant 32 : index
        %get3A_385 = tpu.vector_load %arg8[%get3A_383, %get3A_384] {strides = array<i32>} : memref<200x64xf32, #tpu.memory_space<vmem>>, vector<1x16xf32>,
        %get3A_386 = vector.shape_cast %get3A_385 : vector<1x16xf32> to vector<16xf32>
        %swap3A_387 = arith.constant 3 : i32
        %swap3A_388 = arith.index_cast %swap3A_387 : i32 to index
        %swap3A_389 = arith.index_cast %scan3A_349 : i32 to index
        %swap3A_390 = arith.constant 32 : index
        %swap3A_391 = tpu.vector_load %arg7[%swap3A_388, %swap3A_389, %swap3A_390] {strides = array<i32>} : memref<4x200x64xf32, #tpu.memory_space<vmem>>, vector<1x1x16xf32>,
        %swap3A_392 = vector.shape_cast %swap3A_391 : vector<1x1x16xf32> to vector<16xf32>
        %swap3A_393 = vector.shape_cast %get3A_386 : vector<16xf32> to vector<1x1x16xf32>
        tpu.vector_store %arg7[%swap3A_388, %swap3A_389, %swap3A_390], %swap3A_393 {add = true, strides = array<i32>} : memref<4x200x64xf32, #tpu.memory_space<vmem>>, vector<1x1x16xf32>,
        %get3A_394 = arith.index_cast %select_n3A_360 : i32 to index
        %get3A_395 = arith.constant 48 : index
        %get3A_396 = tpu.vector_load %arg8[%get3A_394, %get3A_395] {strides = array<i32>} : memref<200x64xf32, #tpu.memory_space<vmem>>, vector<1x16xf32>,
        %get3A_397 = vector.shape_cast %get3A_396 : vector<1x16xf32> to vector<16xf32>
        %swap3A_398 = arith.constant 3 : i32
        %swap3A_399 = arith.index_cast %swap3A_398 : i32 to index
        %swap3A_400 = arith.index_cast %scan3A_349 : i32 to index
        %swap3A_401 = arith.constant 48 : index
        %swap3A_402 = tpu.vector_load %arg7[%swap3A_399, %swap3A_400, %swap3A_401] {strides = array<i32>} : memref<4x200x64xf32, #tpu.memory_space<vmem>>, vector<1x1x16xf32>,
        %swap3A_403 = vector.shape_cast %swap3A_402 : vector<1x1x16xf32> to vector<16xf32>
        %swap3A_404 = vector.shape_cast %get3A_397 : vector<16xf32> to vector<1x1x16xf32>
        tpu.vector_store %arg7[%swap3A_399, %swap3A_400, %swap3A_401], %swap3A_404 {add = true, strides = array<i32>} : memref<4x200x64xf32, #tpu.memory_space<vmem>>, vector<1x1x16xf32>,
        %scan3A_405 = arith.constant 2 : i32
        %scan3A_406 = arith.addi %scan3A_297, %scan3A_405 : i32
        %add3A_407 = arith.addi %rem3A_274, %scan3A_406 : i32
        %ge3A_408 = arith.constant 200 : i32
        %ge3A_409 = arith.cmpi sge, %add3A_407, %ge3A_408 : i32
        %sub3A_410 = arith.constant 200 : i32
        %sub3A_411 = arith.subi %add3A_407, %sub3A_410 : i32
        %select_n3A_412 = arith.select %ge3A_409, %sub3A_411, %add3A_407 : i32
        %ge3A_413 = arith.constant 200 : i32
        %ge3A_414 = arith.cmpi sge, %select_n3A_412, %ge3A_413 : i32
        %sub3A_415 = arith.constant 200 : i32
        %sub3A_416 = arith.subi %select_n3A_412, %sub3A_415 : i32
        %select_n3A_417 = arith.select %ge3A_414, %sub3A_416, %select_n3A_412 : i32
        %get3A_418 = arith.index_cast %select_n3A_417 : i32 to index
        %get3A_419 = arith.constant 0 : index
        %get3A_420 = tpu.vector_load %arg8[%get3A_418, %get3A_419] {strides = array<i32>} : memref<200x64xf32, #tpu.memory_space<vmem>>, vector<1x16xf32>,
        %get3A_421 = vector.shape_cast %get3A_420 : vector<1x16xf32> to vector<16xf32>
        %swap3A_422 = arith.constant 3 : i32
        %swap3A_423 = arith.index_cast %swap3A_422 : i32 to index
        %swap3A_424 = arith.index_cast %scan3A_406 : i32 to index
        %swap3A_425 = arith.constant 0 : index
        %swap3A_426 = tpu.vector_load %arg7[%swap3A_423, %swap3A_424, %swap3A_425] {strides = array<i32>} : memref<4x200x64xf32, #tpu.memory_space<vmem>>, vector<1x1x16xf32>,
        %swap3A_427 = vector.shape_cast %swap3A_426 : vector<1x1x16xf32> to vector<16xf32>
        %swap3A_428 = vector.shape_cast %get3A_421 : vector<16xf32> to vector<1x1x16xf32>
        tpu.vector_store %arg7[%swap3A_423, %swap3A_424, %swap3A_425], %swap3A_428 {add = true, strides = array<i32>} : memref<4x200x64xf32, #tpu.memory_space<vmem>>, vector<1x1x16xf32>,
        %get3A_429 = arith.index_cast %select_n3A_417 : i32 to index
        %get3A_430 = arith.constant 16 : index
        %get3A_431 = tpu.vector_load %arg8[%get3A_429, %get3A_430] {strides = array<i32>} : memref<200x64xf32, #tpu.memory_space<vmem>>, vector<1x16xf32>,
        %get3A_432 = vector.shape_cast %get3A_431 : vector<1x16xf32> to vector<16xf32>
        %swap3A_433 = arith.constant 3 : i32
        %swap3A_434 = arith.index_cast %swap3A_433 : i32 to index
        %swap3A_435 = arith.index_cast %scan3A_406 : i32 to index
        %swap3A_436 = arith.constant 16 : index
        %swap3A_437 = tpu.vector_load %arg7[%swap3A_434, %swap3A_435, %swap3A_436] {strides = array<i32>} : memref<4x200x64xf32, #tpu.memory_space<vmem>>, vector<1x1x16xf32>,
        %swap3A_438 = vector.shape_cast %swap3A_437 : vector<1x1x16xf32> to vector<16xf32>
        %swap3A_439 = vector.shape_cast %get3A_432 : vector<16xf32> to vector<1x1x16xf32>
        tpu.vector_store %arg7[%swap3A_434, %swap3A_435, %swap3A_436], %swap3A_439 {add = true, strides = array<i32>} : memref<4x200x64xf32, #tpu.memory_space<vmem>>, vector<1x1x16xf32>,
        %get3A_440 = arith.index_cast %select_n3A_417 : i32 to index
        %get3A_441 = arith.constant 32 : index
        %get3A_442 = tpu.vector_load %arg8[%get3A_440, %get3A_441] {strides = array<i32>} : memref<200x64xf32, #tpu.memory_space<vmem>>, vector<1x16xf32>,
        %get3A_443 = vector.shape_cast %get3A_442 : vector<1x16xf32> to vector<16xf32>
        %swap3A_444 = arith.constant 3 : i32
        %swap3A_445 = arith.index_cast %swap3A_444 : i32 to index
        %swap3A_446 = arith.index_cast %scan3A_406 : i32 to index
        %swap3A_447 = arith.constant 32 : index
        %swap3A_448 = tpu.vector_load %arg7[%swap3A_445, %swap3A_446, %swap3A_447] {strides = array<i32>} : memref<4x200x64xf32, #tpu.memory_space<vmem>>, vector<1x1x16xf32>,
        %swap3A_449 = vector.shape_cast %swap3A_448 : vector<1x1x16xf32> to vector<16xf32>
        %swap3A_450 = vector.shape_cast %get3A_443 : vector<16xf32> to vector<1x1x16xf32>
        tpu.vector_store %arg7[%swap3A_445, %swap3A_446, %swap3A_447], %swap3A_450 {add = true, strides = array<i32>} : memref<4x200x64xf32, #tpu.memory_space<vmem>>, vector<1x1x16xf32>,
        %get3A_451 = arith.index_cast %select_n3A_417 : i32 to index
        %get3A_452 = arith.constant 48 : index
        %get3A_453 = tpu.vector_load %arg8[%get3A_451, %get3A_452] {strides = array<i32>} : memref<200x64xf32, #tpu.memory_space<vmem>>, vector<1x16xf32>,
        %get3A_454 = vector.shape_cast %get3A_453 : vector<1x16xf32> to vector<16xf32>
        %swap3A_455 = arith.constant 3 : i32
        %swap3A_456 = arith.index_cast %swap3A_455 : i32 to index
        %swap3A_457 = arith.index_cast %scan3A_406 : i32 to index
        %swap3A_458 = arith.constant 48 : index
        %swap3A_459 = tpu.vector_load %arg7[%swap3A_456, %swap3A_457, %swap3A_458] {strides = array<i32>} : memref<4x200x64xf32, #tpu.memory_space<vmem>>, vector<1x1x16xf32>,
        %swap3A_460 = vector.shape_cast %swap3A_459 : vector<1x1x16xf32> to vector<16xf32>
        %swap3A_461 = vector.shape_cast %get3A_454 : vector<16xf32> to vector<1x1x16xf32>
        tpu.vector_store %arg7[%swap3A_456, %swap3A_457, %swap3A_458], %swap3A_461 {add = true, strides = array<i32>} : memref<4x200x64xf32, #tpu.memory_space<vmem>>, vector<1x1x16xf32>,
        %scan3A_462 = arith.constant 3 : i32
        %scan3A_463 = arith.addi %scan3A_297, %scan3A_462 : i32
        %add3A_464 = arith.addi %rem3A_274, %scan3A_463 : i32
        %ge3A_465 = arith.constant 200 : i32
        %ge3A_466 = arith.cmpi sge, %add3A_464, %ge3A_465 : i32
        %sub3A_467 = arith.constant 200 : i32
        %sub3A_468 = arith.subi %add3A_464, %sub3A_467 : i32
        %select_n3A_469 = arith.select %ge3A_466, %sub3A_468, %add3A_464 : i32
        %ge3A_470 = arith.constant 200 : i32
        %ge3A_471 = arith.cmpi sge, %select_n3A_469, %ge3A_470 : i32
        %sub3A_472 = arith.constant 200 : i32
        %sub3A_473 = arith.subi %select_n3A_469, %sub3A_472 : i32
        %select_n3A_474 = arith.select %ge3A_471, %sub3A_473, %select_n3A_469 : i32
        %get3A_475 = arith.index_cast %select_n3A_474 : i32 to index
        %get3A_476 = arith.constant 0 : index
        %get3A_477 = tpu.vector_load %arg8[%get3A_475, %get3A_476] {strides = array<i32>} : memref<200x64xf32, #tpu.memory_space<vmem>>, vector<1x16xf32>,
        %get3A_478 = vector.shape_cast %get3A_477 : vector<1x16xf32> to vector<16xf32>
        %swap3A_479 = arith.constant 3 : i32
        %swap3A_480 = arith.index_cast %swap3A_479 : i32 to index
        %swap3A_481 = arith.index_cast %scan3A_463 : i32 to index
        %swap3A_482 = arith.constant 0 : index
        %swap3A_483 = tpu.vector_load %arg7[%swap3A_480, %swap3A_481, %swap3A_482] {strides = array<i32>} : memref<4x200x64xf32, #tpu.memory_space<vmem>>, vector<1x1x16xf32>,
        %swap3A_484 = vector.shape_cast %swap3A_483 : vector<1x1x16xf32> to vector<16xf32>
        %swap3A_485 = vector.shape_cast %get3A_478 : vector<16xf32> to vector<1x1x16xf32>
        tpu.vector_store %arg7[%swap3A_480, %swap3A_481, %swap3A_482], %swap3A_485 {add = true, strides = array<i32>} : memref<4x200x64xf32, #tpu.memory_space<vmem>>, vector<1x1x16xf32>,
        %get3A_486 = arith.index_cast %select_n3A_474 : i32 to index
        %get3A_487 = arith.constant 16 : index
        %get3A_488 = tpu.vector_load %arg8[%get3A_486, %get3A_487] {strides = array<i32>} : memref<200x64xf32, #tpu.memory_space<vmem>>, vector<1x16xf32>,
        %get3A_489 = vector.shape_cast %get3A_488 : vector<1x16xf32> to vector<16xf32>
        %swap3A_490 = arith.constant 3 : i32
        %swap3A_491 = arith.index_cast %swap3A_490 : i32 to index
        %swap3A_492 = arith.index_cast %scan3A_463 : i32 to index
        %swap3A_493 = arith.constant 16 : index
        %swap3A_494 = tpu.vector_load %arg7[%swap3A_491, %swap3A_492, %swap3A_493] {strides = array<i32>} : memref<4x200x64xf32, #tpu.memory_space<vmem>>, vector<1x1x16xf32>,
        %swap3A_495 = vector.shape_cast %swap3A_494 : vector<1x1x16xf32> to vector<16xf32>
        %swap3A_496 = vector.shape_cast %get3A_489 : vector<16xf32> to vector<1x1x16xf32>
        tpu.vector_store %arg7[%swap3A_491, %swap3A_492, %swap3A_493], %swap3A_496 {add = true, strides = array<i32>} : memref<4x200x64xf32, #tpu.memory_space<vmem>>, vector<1x1x16xf32>,
        %get3A_497 = arith.index_cast %select_n3A_474 : i32 to index
        %get3A_498 = arith.constant 32 : index
        %get3A_499 = tpu.vector_load %arg8[%get3A_497, %get3A_498] {strides = array<i32>} : memref<200x64xf32, #tpu.memory_space<vmem>>, vector<1x16xf32>,
        %get3A_500 = vector.shape_cast %get3A_499 : vector<1x16xf32> to vector<16xf32>
        %swap3A_501 = arith.constant 3 : i32
        %swap3A_502 = arith.index_cast %swap3A_501 : i32 to index
        %swap3A_503 = arith.index_cast %scan3A_463 : i32 to index
        %swap3A_504 = arith.constant 32 : index
        %swap3A_505 = tpu.vector_load %arg7[%swap3A_502, %swap3A_503, %swap3A_504] {strides = array<i32>} : memref<4x200x64xf32, #tpu.memory_space<vmem>>, vector<1x1x16xf32>,
        %swap3A_506 = vector.shape_cast %swap3A_505 : vector<1x1x16xf32> to vector<16xf32>
        %swap3A_507 = vector.shape_cast %get3A_500 : vector<16xf32> to vector<1x1x16xf32>
        tpu.vector_store %arg7[%swap3A_502, %swap3A_503, %swap3A_504], %swap3A_507 {add = true, strides = array<i32>} : memref<4x200x64xf32, #tpu.memory_space<vmem>>, vector<1x1x16xf32>,
        %get3A_508 = arith.index_cast %select_n3A_474 : i32 to index
        %get3A_509 = arith.constant 48 : index
        %get3A_510 = tpu.vector_load %arg8[%get3A_508, %get3A_509] {strides = array<i32>} : memref<200x64xf32, #tpu.memory_space<vmem>>, vector<1x16xf32>,
        %get3A_511 = vector.shape_cast %get3A_510 : vector<1x16xf32> to vector<16xf32>
        %swap3A_512 = arith.constant 3 : i32
        %swap3A_513 = arith.index_cast %swap3A_512 : i32 to index
        %swap3A_514 = arith.index_cast %scan3A_463 : i32 to index
        %swap3A_515 = arith.constant 48 : index
        %swap3A_516 = tpu.vector_load %arg7[%swap3A_513, %swap3A_514, %swap3A_515] {strides = array<i32>} : memref<4x200x64xf32, #tpu.memory_space<vmem>>, vector<1x1x16xf32>,
        %swap3A_517 = vector.shape_cast %swap3A_516 : vector<1x1x16xf32> to vector<16xf32>
        %swap3A_518 = vector.shape_cast %get3A_511 : vector<16xf32> to vector<1x1x16xf32>
        tpu.vector_store %arg7[%swap3A_513, %swap3A_514, %swap3A_515], %swap3A_518 {add = true, strides = array<i32>} : memref<4x200x64xf32, #tpu.memory_space<vmem>>, vector<1x1x16xf32>,
      }
      %scan3A_280 = arith.constant 200 : i32
      %mul3A_281 = arith.constant 200 : i32
      %mul3A_282 = arith.muli %add3A_248, %mul3A_281 : i32
      %add3A_283 = arith.addi %mul3A_2, %mul3A_282 : i32
      %dma_start3A_284 = arith.constant 3 : i32
      %dma_start3A_285 = arith.constant 0 : i32
      %dma_start3A_286 = arith.constant 0 : i32
      %dma_start3A_287 = tpu.memref_slice %arg7[%dma_start3A_284, %dma_start3A_285, %dma_start3A_286] : memref<4x200x64xf32, #tpu.memory_space<vmem>> -> memref<1x200x64xf32, #tpu.memory_space<vmem>>
      %dma_start3A_288 = tpu.memref_squeeze %dma_start3A_287 : memref<1x200x64xf32, #tpu.memory_space<vmem>> -> memref<200x64xf32, #tpu.memory_space<vmem>>
      %dma_start3A_289 = arith.constant 0 : i32
      %dma_start3A_290 = tpu.memref_slice %arg5[%add3A_283, %dma_start3A_289] : memref<819200x128xf32, #tpu.memory_space<hbm>> -> memref<200x64xf32, #tpu.memory_space<hbm>>
      %dma_start3A_291 = arith.constant 0 : i32
      %dma_start3A_292 = tpu.memref_slice %arg5[%add3A_283, %dma_start3A_291] : memref<819200x128xf32, #tpu.memory_space<hbm>> -> memref<200x64xf32, #tpu.memory_space<hbm>>
      %dma_start3A_293 = arith.constant 0 : i32
      %dma_start3A_294 = arith.constant 0 : i32
      %dma_start3A_295 = tpu.memref_slice %arg7[%dma_start3A_284, %dma_start3A_293, %dma_start3A_294] : memref<4x200x64xf32, #tpu.memory_space<vmem>> -> memref<1x200x64xf32, #tpu.memory_space<vmem>>
      %dma_start3A_296 = tpu.memref_squeeze %dma_start3A_295 : memref<1x200x64xf32, #tpu.memory_space<vmem>> -> memref<200x64xf32, #tpu.memory_space<vmem>>
      tpu.enqueue_dma source(%dma_start3A_296 : memref<200x64xf32, #tpu.memory_space<vmem>>) target(%dma_start3A_292 : memref<200x64xf32, #tpu.memory_space<hbm>>) target_semaphore(%arg16 : memref<!tpu.dma_semaphore, #tpu.memory_space<semaphore_mem>>)
    }
    %scan3A_46 = arith.constant 32 : i32
    %dma_wait3A = arith.constant 0 : i32
    %dma_wait3A_47 = arith.constant 0 : i32
    %dma_wait3A_48 = arith.constant 0 : i32
    %dma_wait3A_49 = tpu.memref_slice %arg7[%dma_wait3A, %dma_wait3A_47, %dma_wait3A_48] : memref<4x200x64xf32, #tpu.memory_space<vmem>> -> memref<1x200x64xf32, #tpu.memory_space<vmem>>
    %dma_wait3A_50 = tpu.memref_squeeze %dma_wait3A_49 : memref<1x200x64xf32, #tpu.memory_space<vmem>> -> memref<200x64xf32, #tpu.memory_space<vmem>>
    %dma_wait3A_51 = arith.constant 0 : i32
    %dma_wait3A_52 = tpu.memref_slice %arg5[%mul3A_2, %dma_wait3A_51] : memref<819200x128xf32, #tpu.memory_space<hbm>> -> memref<200x64xf32, #tpu.memory_space<hbm>>
    %dma_wait3A_53 = arith.constant 0 : i32
    %dma_wait3A_54 = tpu.memref_slice %arg5[%mul3A_2, %dma_wait3A_53] : memref<819200x128xf32, #tpu.memory_space<hbm>> -> memref<200x64xf32, #tpu.memory_space<hbm>>
    %dma_wait3A_55 = arith.constant 0 : i32
    %dma_wait3A_56 = arith.constant 0 : i32
    %dma_wait3A_57 = tpu.memref_slice %arg7[%dma_wait3A, %dma_wait3A_55, %dma_wait3A_56] : memref<4x200x64xf32, #tpu.memory_space<vmem>> -> memref<1x200x64xf32, #tpu.memory_space<vmem>>
    %dma_wait3A_58 = tpu.memref_squeeze %dma_wait3A_57 : memref<1x200x64xf32, #tpu.memory_space<vmem>> -> memref<200x64xf32, #tpu.memory_space<vmem>>
    tpu.wait_dma2 semaphore(%arg13 : memref<!tpu.dma_semaphore, #tpu.memory_space<semaphore_mem>>) src(%dma_wait3A_58 : memref<200x64xf32, #tpu.memory_space<vmem>>) dst(%dma_wait3A_54 : memref<200x64xf32, #tpu.memory_space<hbm>>)
    %dma_wait3A_59 = arith.constant 1 : i32
    %dma_wait3A_60 = arith.constant 0 : i32
    %dma_wait3A_61 = arith.constant 0 : i32
    %dma_wait3A_62 = tpu.memref_slice %arg7[%dma_wait3A_59, %dma_wait3A_60, %dma_wait3A_61] : memref<4x200x64xf32, #tpu.memory_space<vmem>> -> memref<1x200x64xf32, #tpu.memory_space<vmem>>
    %dma_wait3A_63 = tpu.memref_squeeze %dma_wait3A_62 : memref<1x200x64xf32, #tpu.memory_space<vmem>> -> memref<200x64xf32, #tpu.memory_space<vmem>>
    %dma_wait3A_64 = arith.constant 0 : i32
    %dma_wait3A_65 = tpu.memref_slice %arg5[%mul3A_2, %dma_wait3A_64] : memref<819200x128xf32, #tpu.memory_space<hbm>> -> memref<200x64xf32, #tpu.memory_space<hbm>>
    %dma_wait3A_66 = arith.constant 0 : i32
    %dma_wait3A_67 = tpu.memref_slice %arg5[%mul3A_2, %dma_wait3A_66] : memref<819200x128xf32, #tpu.memory_space<hbm>> -> memref<200x64xf32, #tpu.memory_space<hbm>>
    %dma_wait3A_68 = arith.constant 0 : i32
    %dma_wait3A_69 = arith.constant 0 : i32
    %dma_wait3A_70 = tpu.memref_slice %arg7[%dma_wait3A_59, %dma_wait3A_68, %dma_wait3A_69] : memref<4x200x64xf32, #tpu.memory_space<vmem>> -> memref<1x200x64xf32, #tpu.memory_space<vmem>>
    %dma_wait3A_71 = tpu.memref_squeeze %dma_wait3A_70 : memref<1x200x64xf32, #tpu.memory_space<vmem>> -> memref<200x64xf32, #tpu.memory_space<vmem>>
    tpu.wait_dma2 semaphore(%arg14 : memref<!tpu.dma_semaphore, #tpu.memory_space<semaphore_mem>>) src(%dma_wait3A_71 : memref<200x64xf32, #tpu.memory_space<vmem>>) dst(%dma_wait3A_67 : memref<200x64xf32, #tpu.memory_space<hbm>>)
    %dma_wait3A_72 = arith.constant 2 : i32
    %dma_wait3A_73 = arith.constant 0 : i32
    %dma_wait3A_74 = arith.constant 0 : i32
    %dma_wait3A_75 = tpu.memref_slice %arg7[%dma_wait3A_72, %dma_wait3A_73, %dma_wait3A_74] : memref<4x200x64xf32, #tpu.memory_space<vmem>> -> memref<1x200x64xf32, #tpu.memory_space<vmem>>
    %dma_wait3A_76 = tpu.memref_squeeze %dma_wait3A_75 : memref<1x200x64xf32, #tpu.memory_space<vmem>> -> memref<200x64xf32, #tpu.memory_space<vmem>>
    %dma_wait3A_77 = arith.constant 0 : i32
    %dma_wait3A_78 = tpu.memref_slice %arg5[%mul3A_2, %dma_wait3A_77] : memref<819200x128xf32, #tpu.memory_space<hbm>> -> memref<200x64xf32, #tpu.memory_space<hbm>>
    %dma_wait3A_79 = arith.constant 0 : i32
    %dma_wait3A_80 = tpu.memref_slice %arg5[%mul3A_2, %dma_wait3A_79] : memref<819200x128xf32, #tpu.memory_space<hbm>> -> memref<200x64xf32, #tpu.memory_space<hbm>>
    %dma_wait3A_81 = arith.constant 0 : i32
    %dma_wait3A_82 = arith.constant 0 : i32
    %dma_wait3A_83 = tpu.memref_slice %arg7[%dma_wait3A_72, %dma_wait3A_81, %dma_wait3A_82] : memref<4x200x64xf32, #tpu.memory_space<vmem>> -> memref<1x200x64xf32, #tpu.memory_space<vmem>>
    %dma_wait3A_84 = tpu.memref_squeeze %dma_wait3A_83 : memref<1x200x64xf32, #tpu.memory_space<vmem>> -> memref<200x64xf32, #tpu.memory_space<vmem>>
    tpu.wait_dma2 semaphore(%arg15 : memref<!tpu.dma_semaphore, #tpu.memory_space<semaphore_mem>>) src(%dma_wait3A_84 : memref<200x64xf32, #tpu.memory_space<vmem>>) dst(%dma_wait3A_80 : memref<200x64xf32, #tpu.memory_space<hbm>>)
    %dma_wait3A_85 = arith.constant 3 : i32
    %dma_wait3A_86 = arith.constant 0 : i32
    %dma_wait3A_87 = arith.constant 0 : i32
    %dma_wait3A_88 = tpu.memref_slice %arg7[%dma_wait3A_85, %dma_wait3A_86, %dma_wait3A_87] : memref<4x200x64xf32, #tpu.memory_space<vmem>> -> memref<1x200x64xf32, #tpu.memory_space<vmem>>
    %dma_wait3A_89 = tpu.memref_squeeze %dma_wait3A_88 : memref<1x200x64xf32, #tpu.memory_space<vmem>> -> memref<200x64xf32, #tpu.memory_space<vmem>>
    %dma_wait3A_90 = arith.constant 0 : i32
    %dma_wait3A_91 = tpu.memref_slice %arg5[%mul3A_2, %dma_wait3A_90] : memref<819200x128xf32, #tpu.memory_space<hbm>> -> memref<200x64xf32, #tpu.memory_space<hbm>>
    %dma_wait3A_92 = arith.constant 0 : i32
    %dma_wait3A_93 = tpu.memref_slice %arg5[%mul3A_2, %dma_wait3A_92] : memref<819200x128xf32, #tpu.memory_space<hbm>> -> memref<200x64xf32, #tpu.memory_space<hbm>>
    %dma_wait3A_94 = arith.constant 0 : i32
    %dma_wait3A_95 = arith.constant 0 : i32
    %dma_wait3A_96 = tpu.memref_slice %arg7[%dma_wait3A_85, %dma_wait3A_94, %dma_wait3A_95] : memref<4x200x64xf32, #tpu.memory_space<vmem>> -> memref<1x200x64xf32, #tpu.memory_space<vmem>>
    %dma_wait3A_97 = tpu.memref_squeeze %dma_wait3A_96 : memref<1x200x64xf32, #tpu.memory_space<vmem>> -> memref<200x64xf32, #tpu.memory_space<vmem>>
    tpu.wait_dma2 semaphore(%arg16 : memref<!tpu.dma_semaphore, #tpu.memory_space<semaphore_mem>>) src(%dma_wait3A_97 : memref<200x64xf32, #tpu.memory_space<vmem>>) dst(%dma_wait3A_93 : memref<200x64xf32, #tpu.memory_space<hbm>>)
    return
  }
}

</mosaic_0001>

<sc_bundles>
// kernel: kernel.3.cloned.1.call-start
scs
__scs_entry_jumppad:
0x0: {  	(pc) =	sbr.rel $0x88, $3  }
0x1: {  	(tag) =	ssettag $0x0;
	lr =	simm.s32 $0x1  }
0x2: {  	[smem:$0x3F9F] =	sst lr;
	_ =	strace $0xD0000000  }
0x3: {  	_ = 	snop  }
0x4: {  	_ = 	snop  }
0x5: {  	_ = 	snop  }
0x6: {  	_ = 	snop  }
0x7: {  	_ = 	snop  }
__scs_overlays_trampoline_lowered:
0x8: {  	[smem:$0x3FAE] =	sst s0  }
0x9: {  	[smem:$0x3FAF] =	sst s1  }
0xa: {  	[smem:$0x3FB0] =	sst s2  }
0xb: {  	[smem:$0x3FB1] =	sst s3  }
0xc: {  	[smem:$0x3FB2] =	sst s4  }
0xd: {  	[smem:$0x3FB3] =	sst s5  }
0xe: {  	[smem:$0x3FB4] =	sst s6  }
0xf: {  	[smem:$0x3FB5] =	sst s7  }
0x10: {  	[smem:$0x3FB6] =	sst s8  }
0x11: {  	[smem:$0x3FB7] =	sst s9;
	s0 =	simm.s32 @!p0 $0x0  }
0x12: {  	s1 =	sld [smem:$0x3F9D];
	s0 =	simm.s32 @p0 $0x1  }
0x13: {  	[smem:$0x3FB8] =	sst s0;
	s0 =	simm.s32 @!p1 $0x0  }
0x14: {  	s2 =	sld [smem:$0x3F9C];
	s0 =	simm.s32 @p1 $0x1  }
0x15: {  	[smem:$0x3FB9] =	sst s0;
	s0 =	simm.s32 @!p2 $0x0  }
0x16: {  	s3 =	sld [smem:$0x3FDB];
	s0 =	simm.s32 @p2 $0x1  }
0x17: {  	s4 =	simm.s32 $0x1BF5;
	[smem:$0x3FBB] =	sst s0  }
0x18: {  	s0 =	sld [smem:$0x3F9E];
	_ =	swait.ge [sflag:s4], $0x0  }
0x19: {  	s7 =	sld [smem:$0x3F9F]  }
0x1a: {  	s8 =	sadd.s32 $0xFFFFE003, lr  }
0x1b: {  	s9 =	sadd.s32 $0xFFFFFEF7, lr;
	s5 =	simm.s32 $0xFFFFFFFF;
	p2 =	slt.u32 s8, $0xFFFFF086  }
0x1c: {  	p1 =	slt.u32 s9, $0xF7A;
	s5 =	simm.s32 @!p2 $0x0  }
0x1d: {  	s5 =	simm.s32 @p1 $0x1;
	p0 =	seq.s32 s7, s2  }
0x1e: {  	s7 =	smul.u32 @!p0 $0xF7A, s2;
	p2 =	seq.s32 @!p0 s5, $0x0  }
0x1f: {  	s9 =	smul.u32 $0xF7A, s1;
	s8 =	simm.s32 @!p0 $0x1BF5;
	p2 =	por !p2, p0  }
0x20: {  	[sflag:s8] =	ssyncset.s32 @!p0 $0xFFFFF086;
	s6 =	sadd.s32 @!p0 s3, s7;
	s7 =	simm.s32 @!p0 $0x108  }
0x21: {  	s3 =	sadd.s32 s3, s9;
	s6 =	sadd.s32 @!p0 $0x88, s6;
	s7 =	simm.s32 @p2 $0x1082  }
0x22: {  	[simem:s7], [sflag:s8] =	dma.local @!p0 [hbm:s6], $0xF7A  }
0x23: {  	s9 =	sor.u32 $0xD0000000, s2;
	s6 =	simm.s32 $0x108;
	_ =	swait.ge @!p0 [sflag:s8], $0x0  }
0x24: {  	s3 =	sadd.s32 $0x88, s3;
	s6 =	simm.s32 @!p1 $0x1082;
	[sflag:s4] =	ssyncset.s32 $0xFFFFF086  }
0x25: {  	[simem:s6], [sflag:s4] =	dma.local [hbm:s3], $0xF7A  }
0x26: {  	[smem:$0x3F9F] =	sst s1;
	(tag) =	ssettag s2;
	_ =	strace s9  }
0x27: {  	s1 =	sld [smem:$0x3FAF]  }
0x28: {  	s2 =	sld [smem:$0x3FB0]  }
0x29: {  	s4 =	sld [smem:$0x3FB2]  }
0x2a: {  	p0 =	seq.s32 s5, $0x0;
	s5 =	sld [smem:$0x3FB3]  }
0x2b: {  	s6 =	sld [smem:$0x3FB4]  }
0x2c: {  	s7 =	sld [smem:$0x3FB5]  }
0x2d: {  	s3 =	simm.s32 $0x108;
	s8 =	sld [smem:$0x3FB6]  }
0x2e: {  	s3 =	simm.s32 @!p0 $0x1082;
	s9 =	sld [smem:$0x3FB7]  }
0x2f: {  	lr =	sadd.s32 s0, s3;
	s0 =	sld [smem:$0x3FAE]  }
0x30: {  	s3 =	sld [smem:$0x3FB1]  }
0x31: {  	[smem:$0x3FBA] =	sst s10  }
0x32: {  	s10 =	sld [smem:$0x3FB8];
	_ =	sdelay $0x3  }
0x33: {  	p0 =	seq.s32 s10, $0x1;
	s10 =	sld [smem:$0x3FBA];
	_ =	sdelay $0x3  }
0x34: {  	[smem:$0x3FBA] =	sst s10  }
0x35: {  	s10 =	sld [smem:$0x3FB9];
	_ =	sdelay $0x3  }
0x36: {  	p1 =	seq.s32 s10, $0x1;
	s10 =	sld [smem:$0x3FBA];
	_ =	sdelay $0x3  }
0x37: {  	[smem:$0x3FBA] =	sst s10  }
0x38: {  	s10 =	sld [smem:$0x3FBB]  }
0x39: {  	_ = 	snop;
	(pc) =	sbr.ind lr, $3  }
0x3a: {  	_ = 	snop  }
0x3b: {  	_ = 	snop  }
0x3c: {  	p2 =	seq.s32 s10, $0x1;
	s10 =	sld [smem:$0x3FBA]  }
0x3d: {  	_ =	shalt  }
0x3e: {  	_ =	shalt  }
0x3f: {  	_ =	shalt  }
0x40: {  	_ =	shalt  }
0x41: {  	_ =	shalt  }
0x42: {  	_ =	shalt  }
0x43: {  	_ =	shalt  }
0x44: {  	_ =	shalt  }
0x45: {  	_ =	shalt  }
0x46: {  	_ =	shalt  }
0x47: {  	_ =	shalt  }
0x48: {  	_ =	shalt  }
0x49: {  	_ =	shalt  }
0x4a: {  	_ =	shalt  }
0x4b: {  	_ =	shalt  }
0x4c: {  	_ =	shalt  }
0x4d: {  	_ =	shalt  }
0x4e: {  	_ =	shalt  }
0x4f: {  	_ =	shalt  }
0x50: {  	_ =	shalt  }
0x51: {  	_ =	shalt  }
0x52: {  	_ =	shalt  }
0x53: {  	_ =	shalt  }
0x54: {  	_ =	shalt  }
0x55: {  	_ =	shalt  }
0x56: {  	_ =	shalt  }
0x57: {  	_ =	shalt  }
0x58: {  	_ =	shalt  }
0x59: {  	_ =	shalt  }
0x5a: {  	_ =	shalt  }
0x5b: {  	_ =	shalt  }
0x5c: {  	_ =	shalt  }
0x5d: {  	_ =	shalt  }
0x5e: {  	_ =	shalt  }
0x5f: {  	_ =	shalt  }
0x60: {  	_ =	shalt  }
0x61: {  	_ =	shalt  }
0x62: {  	_ =	shalt  }
0x63: {  	_ =	shalt  }
0x64: {  	_ =	shalt  }
0x65: {  	_ =	shalt  }
0x66: {  	_ =	shalt  }
0x67: {  	_ =	shalt  }
0x68: {  	_ =	shalt  }
0x69: {  	_ =	shalt  }
0x6a: {  	_ =	shalt  }
0x6b: {  	_ =	shalt  }
0x6c: {  	_ =	shalt  }
0x6d: {  	_ =	shalt  }
0x6e: {  	_ =	shalt  }
0x6f: {  	_ =	shalt  }
0x70: {  	_ =	shalt  }
0x71: {  	_ =	shalt  }
0x72: {  	_ =	shalt  }
0x73: {  	_ =	shalt  }
0x74: {  	_ =	shalt  }
0x75: {  	_ =	shalt  }
0x76: {  	_ =	shalt  }
0x77: {  	_ =	shalt  }
0x78: {  	_ =	shalt  }
0x79: {  	_ =	shalt  }
0x7a: {  	_ =	shalt  }
0x7b: {  	_ =	shalt  }
0x7c: {  	_ =	shalt  }
0x7d: {  	_ =	shalt  }
0x7e: {  	_ =	shalt  }
0x7f: {  	_ =	shalt  }
0x80: {  	_ =	shalt  }
0x81: {  	_ =	shalt  }
0x82: {  	_ =	shalt  }
0x83: {  	_ =	shalt  }
0x84: {  	_ =	shalt  }
0x85: {  	_ =	shalt  }
0x86: {  	_ =	shalt  }
0x87: {  	_ =	shalt  }
.Lfunc_end0:
.L_simem_size_0:
called_computation.1_lowered:
.L_overlay_start_0:
0x88: {  	s2 =	sld [smem:$0x3FD9]  }
0x89: {  	s3 =	sld [smem:$0x3FFE];
	_ =	sdelay $0x1  }
0x8a: {  	s1 =	srdreg.scid  }
0x8b: {  	s0 =	sand.u32 $0x1, s1  }
0x8c: {  	s17 =	sshll.u32 s0, $0xA;
	s2 =	sadd.s32 s3, s2  }
0x8d: {  	s2 =	sadd.s32 s2, s17  }
0x8e: {  	[smem:$0x3FC6] =	sst s2  }
0x8f: {  	_ = 	snop  }
0x90: {  	s2 =	sld [smem:$0x3FD0];
	(tm) =	ssettm $0x1  }
0x91: {  	s18 =	sld [smem:$0x3FFB];
	_ =	sdelay $0x3  }
0x92: {  	_ =	strace s18  }
0x93: {  	s3 =	sld [smem:$0x3FFC];
	_ =	sdelay $0x3  }
0x94: {  	_ =	strace s3  }
0x95: {  	s3 =	sld [smem:$0x3FFD];
	_ =	sdelay $0x3  }
0x96: {  	_ =	strace s3  }
0x97: {  	_ =	strace $0x8FFFFFFF  }
0x98: {  	s19 =	sld [smem:$0x3FDB];
	_ =	sdelay $0x1  }
0x99: {  	s4 =	simm.s32 $_scs_section_size  }
0x9a: {  	s5 =	simm.s32 $_size__tile_overlayer_lowered;
	s6 =	simm.s32 $_tile_overlayer_lowered  }
0x9b: {  	s22 =	simm.s32 $0x1BFF;
	s21 =	sshll.u32 s6, $0x1;
	s3 =	sadd.s32 s4, s19  }
0x9c: {  	s7 =	simm.s32 $0x0;
	s20 =	sshll.u32 s5, $0x1;
	s5 =	sadd.s32 s21, s3  }
0x9d: {  	[timem:s7], [sflag:s22] =	dma.local [hbm:s5], s20  }
0x9e: {  	_ =	swait.ge [sflag:s22], s20  }
0x9f: {  	s4 =	ssub.s32 $0x0, s20;
	[sflag:s22] =	ssyncset.done $0x0  }
0xa0: {  	[sflag:s22] =	ssyncadd.s32 s4;
	_ =	sdelay $0x1  }
0xa1: {  	s23 =	simm.s32 $0x1B8B  }
0xa2: {  	_ =	swait.ge [sflag:s23], $0x1  }
0xa3: {  	[sflag:s23] =	ssyncset.done $0x0  }
0xa4: {  	s25 =	simm.s32 $0x1B8E;
	s24 =	sld [smem:$0x3FFE];
	[sflag:s23] =	ssyncadd.s32 $0xFFFFFFFF  }
0xa5: {  	s26 =	simm.s32 $execute0_lowered;
	[smem:$0x3FD2] =	sst s25  }
0xa6: {  	s5 =	sshll.u32 s26, $0x1;
	_ =	strace $0x80000046;
	[dreg:$0x1] =	wrdreg $0xFFFFFFFF  }
0xa7: {  	s28 =	simm.s32 $_size_execute0_lowered;
	s3 =	sadd.s32 s3, s5;
	[dreg:$0x0] =	wrdreg $0x0  }
0xa8: {  	s5 =	sshll.u32 s28, $0x1;
	[dreg:$0x2] =	wrdreg s3  }
0xa9: {  	[dreg:$0x3] =	wrdreg s5  }
0xaa: {  	[dreg:$0x4] =	wrdreg $0xC0  }
0xab: {  	_ =	task [dreg:s7], $0x5FFFF  }
0xac: {  	[dreg:$0x1] =	wrdreg $0xFFFFFFFF  }
0xad: {  	[dreg:$0x0] =	wrdreg $0x60  }
0xae: {  	[dreg:$0x2] =	wrdreg s2  }
0xaf: {  	[dreg:$0x3] =	wrdreg s24  }
0xb0: {  	[dreg:$0x4] =	wrdreg $0x9  }
0xb1: {  	_ =	task.clear_ibuf [dreg:s7], $0x5FFFF;
	_ =	strace $0x90000046  }
0xb2: {  	s29 =	simm.s32 $0x9;
	_ =	strace $0x80000048  }
0xb3: {  	_ =	swait.ge [sflag:s29], $0x1  }
0xb4: {  	[sflag:s29] =	ssyncadd.s32 $0xFFFFFFFF  }
0xb5: {  	_ =	strace $0x90000048  }
0xb6: {  	_ =	sfence  }
0xb7: {  	s30 =	sld [smem:$0x0];
	_ =	sdelay $0x2  }
0xb8: {  	s31 =	sshll.u32 s1, $0xD;
	s1 =	sshrl.u32 s1, $0x2  }
0xb9: {  	s3 =	sand.u32 $0x4000, s31;
	s1 =	sadd.s32 s1, s30  }
0xba: {  	s0 =	sor.u32 s3, s0;
	s1 =	sshll.u32 s1, $0x11  }
0xbb: {  	s0 =	sor.u32 s1, s0  }
0xbc: {  	s0 =	sadd.s32 $0x8F2B, s0  }
0xbd: {  	[sflag:s0] =	ssyncadd.remote.s32 $0x1  }
0xbe: {  	_ =	sfence.sel $0xFFFF  }
0xbf: {  	[dreg:$0x0] =	wrdreg $0xFFFFFFFF;
	(pc) =	sbr.abs _section_cstart, $3  }
0xc0: {  	[dreg:$0x1] =	wrdreg $0xFFFFFFFF  }
0xc1: {  	_ =	task.clear_ibuf [dreg:s7], $0x2FFFF;
	_ =	strace $0x9FFFFFFF  }
0xc2: {  	(tm) =	ssettm $0x7FFFFFFF  }
0xc3: {  	_ =	shalt  }
tec
execute0_lowered:
.L_overlay_start_1:
0x0: {  	(tag) =	ssettag $0x1  }
0x1: {  	s0 =	rddreg [dreg:$0x0]  }
0x2: {  	s1 =	rddreg [dreg:$0x1]  }
0x3: {  	s3 =	srdreg.scid;
	s4 =	stileid.u32  }
0x4: {  	s2 =	simm.s32 $0x0;
	s11 =	simm.s32 $0x9;
	s12 =	simm.s32 $0x80  }
0x5: {  	s13 =	simm.s32 $0x6400;
	s14 =	simm.s32 $0x48;
	s17 =	simm.s32 $0x9600  }
0x6: {  	s20 =	simm.s32 $0xC800;
	s21 =	simm.s32 $0xE800;
	s22 =	simm.s32 $0x1  }
0x7: {  	s23 =	simm.s32 $0x40;
	s28 =	simm.s32 $0x3;
	s29 =	simm.s32 $0x4  }
0x8: {  	s30 =	simm.s32 $0x5;
	s31 =	simm.s32 $0x6;
	s10 =	simm.s32 $0x0  }
0x9: {  	s3 =	sand.u32 $0x1, s3;
	s4 =	sshll.u32 s4, $0x1;
	[smem:$0x7FF] =	sst s2  }
0xa: {  	s6 =	sadd.s32 $0x400, s1;
	s4 =	sor.u32 s3, s4;
	_ =	strace $0x80000047  }
0xb: {  	s5 =	ssub.s32 $0x2, s3;
	[dreg:$0x3] =	wrdreg s6;
	s3 =	smul.u32 $0x6400, s4  }
0xc: {  	s6 =	sadd.s32 $0xC00, s1;
	s4 =	sadd.s32 $0xF43000, s1;
	s7 =	sshrl.u32 s5, $0x1  }
0xd: {  	s1 =	simm.s32 $0x8;
	s24 =	ssub.s32 s5, s7;
	s25 =	sshrl.u32 s3, $0x3  }
0xe: {  	s26 =	smax.u32 s24, $0x1;
	s9 =	sor.u32 $0xC8, s3;
	s24 =	simm.s32 $0xFA00  }
0xf: {  	s0 =	sadd.s32 s0, s25;
	[dreg:$0x5] =	wrdreg s26;
	s25 =	simm.s32 $0x11A00  }
0x10: {  	s26 =	simm.s32 $0x2;
	[dreg:$0x4] =	wrdreg s0;
	s0 =	simm.s32 $0x7  }
.LBB2_1:
0x11: {  	s5 =	rddreg [dreg:$0x3];
	s7 =	simm.s32 $0x12C00  }
0x12: {  	[tilespmem:s7], [sflag:$0x9] =	stream.linear.gather [hbm4b:s5+s2], $0x3200, $0x38;
	[tilespmem:$0x15E00] =	vst v63  }
0x13: {  	_ =	swait.ge [sflag:s11], $0x3200  }
0x14: {  	[sflag:s11] =	ssyncset.done $0x0  }
0x15: {  	s8 =	rddreg [dreg:$0x4];
	[sflag:s11] =	ssyncadd.s32 $0xFFFFCE00  }
0x16: {  	[tilespmem:s2], [sflag:$0x9] =	stream.linear.gather [hbm4b:s8+s2], $0x6400, $0x38;
	[tilespmem:$0x15E00] =	vst v63  }
0x17: {  	_ =	swait.ge [sflag:s11], $0x6400  }
0x18: {  	[sflag:s11] =	ssyncset.done $0x0  }
0x19: {  	[sflag:s11] =	ssyncadd.s32 $0xFFFF9C00  }
0x1a: {  	[tilespmem:s13], [sflag:$0x1] =	stream.indirect.gather [hbm4b:s4+s12], $0x40, s2, s12, $0xb8;
	[tilespmem:$0x15E00] =	vst v63  }
0x1b: {  	s15 =	simm.s32 $0x8400  }
0x1c: {  	[tilespmem:s15], [sflag:$0x1] =	stream.indirect.gather [hbm4b:s4+s14], $0x40, s12, s14, $0xb8;
	[tilespmem:$0x15E00] =	vst v63  }
0x1d: {  	s16 =	simm.s32 $0xC8  }
0x1e: {  	[tilespmem:s17], [sflag:$0x2] =	stream.indirect.gather [hbm4b:s4+s12], $0x40, s16, s12, $0xb8;
	[tilespmem:$0x15E00] =	vst v63  }
0x1f: {  	s18 =	simm.s32 $0x148;
	s19 =	simm.s32 $0xB600;
	s15 =	simm.s32 $0x0  }
0x20: {  	[tilespmem:s19], [sflag:$0x2] =	stream.indirect.gather [hbm4b:s4+s14], $0x40, s18, s14, $0xb8;
	[tilespmem:$0x15E00] =	vst v63  }
.LBB2_2:
0x21: {  	p0 =	seq.s32 s15, $0x0  }
0x22: {  	s5 =	simm.s32 @!p0 $0x7  }
0x23: {  	s16 =	smul.u32 $0x320, s15;
	_ =	swait.ge @!p0 [sflag:s5], $0x3200  }
0x24: {  	[sflag:s5] =	ssyncset.done @!p0 $0x0  }
0x25: {  	s19 =	sadd.s32 $0x190, s16;
	[sflag:s5] =	ssyncadd.s32 @!p0 $0xFFFFCE00  }
0x26: {  	[tilespmem:s20], [sflag:$0x3] =	stream.indirect.gather [hbm4b:s4+s12], $0x40, s19, s12, $0xb8;
	[tilespmem:$0x15E00] =	vst v63  }
0x27: {  	s18 =	sadd.s32 $0x210, s16  }
0x28: {  	[tilespmem:s21], [sflag:$0x3] =	stream.indirect.gather [hbm4b:s4+s14], $0x40, s18, s14, $0xb8;
	[tilespmem:$0x15E00] =	vst v63  }
0x29: {  	_ =	swait.ge [sflag:s22], $0x3200  }
0x2a: {  	[sflag:s22] =	ssyncset.done $0x0  }
0x2b: {  	s5 =	simm.s32 $0x0;
	[sflag:s22] =	ssyncadd.s32 $0xFFFFCE00  }
0x2c: {  	v0 =	vld [tilespmem:s5+$0x12CF0]  }
0x2d: {  	v1 =	vld [tilespmem:s5+$0x12C00]  }
0x2e: {  	v2 =	vld [tilespmem:s5+$0x12C10]  }
0x2f: {  	v3 =	vld [tilespmem:s5+$0x12C20]  }
0x30: {  	v4 =	vld [tilespmem:s5+$0x12C30]  }
0x31: {  	v5 =	vld [tilespmem:s5+$0x12C40]  }
0x32: {  	v6 =	vld [tilespmem:s5+$0x12C50]  }
0x33: {  	v7 =	vld [tilespmem:s5+$0x12C60]  }
0x34: {  	v8 =	vld [tilespmem:s5+$0x12C70]  }
0x35: {  	v9 =	vld [tilespmem:s5+$0x12C80]  }
0x36: {  	v10 =	vld [tilespmem:s5+$0x12C90]  }
0x37: {  	v11 =	vld [tilespmem:s5+$0x12CA0]  }
0x38: {  	v12 =	vld [tilespmem:s5+$0x12CB0]  }
0x39: {  	v13 =	vld [tilespmem:s5+$0x12CC0]  }
0x3a: {  	v14 =	vld [tilespmem:s5+$0x12CD0]  }
0x3b: {  	[tilespmem:s5+$0x64F0] =	vst.add.f32.msk $0xffff, v0  }
0x3c: {  	v0 =	vld [tilespmem:s5+$0x12CE0]  }
0x3d: {  	[tilespmem:s5+$0x6400] =	vst.add.f32.msk $0xffff, v1  }
0x3e: {  	[tilespmem:s5+$0x6410] =	vst.add.f32.msk $0xffff, v2  }
0x3f: {  	[tilespmem:s5+$0x6420] =	vst.add.f32.msk $0xffff, v3  }
0x40: {  	[tilespmem:s5+$0x6430] =	vst.add.f32.msk $0xffff, v4  }
0x41: {  	[tilespmem:s5+$0x6440] =	vst.add.f32.msk $0xffff, v5  }
0x42: {  	[tilespmem:s5+$0x6450] =	vst.add.f32.msk $0xffff, v6  }
0x43: {  	[tilespmem:s5+$0x6460] =	vst.add.f32.msk $0xffff, v7  }
0x44: {  	[tilespmem:s5+$0x6470] =	vst.add.f32.msk $0xffff, v8  }
0x45: {  	[tilespmem:s5+$0x6480] =	vst.add.f32.msk $0xffff, v9  }
0x46: {  	[tilespmem:s5+$0x6490] =	vst.add.f32.msk $0xffff, v10  }
0x47: {  	[tilespmem:s5+$0x64A0] =	vst.add.f32.msk $0xffff, v11  }
0x48: {  	[tilespmem:s5+$0x64B0] =	vst.add.f32.msk $0xffff, v12  }
0x49: {  	[tilespmem:s5+$0x64C0] =	vst.add.f32.msk $0xffff, v13  }
0x4a: {  	s7 =	simm.s32 $0x400;
	s18 =	simm.s32 $0x0;
	[tilespmem:s5+$0x64D0] =	vst.add.f32.msk $0xffff, v14  }
.LBB2_3:
0x4b: {  	s18 =	sadd.s32 $0x4, s18;
	[tilespmem:s5+$0x64E0] =	vst.add.f32.msk $0xffff, v0;
	s5 =	sshra.s32 s7, $0x2  }
0x4c: {  	v0 =	vld [tilespmem:s5+$0x12CF0];
	p1 =	slt.u32 s18, $0xC4  }
0x4d: {  	v1 =	vld [tilespmem:s5+$0x12C00]  }
0x4e: {  	v2 =	vld [tilespmem:s5+$0x12C10]  }
0x4f: {  	v3 =	vld [tilespmem:s5+$0x12C20]  }
0x50: {  	v4 =	vld [tilespmem:s5+$0x12C30]  }
0x51: {  	[tilespmem:s5+$0x64F0] =	vst.add.f32.msk $0xffff, v0  }
0x52: {  	v5 =	vld [tilespmem:s5+$0x12C40]  }
0x53: {  	v6 =	vld [tilespmem:s5+$0x12C50]  }
0x54: {  	v7 =	vld [tilespmem:s5+$0x12C60]  }
0x55: {  	v8 =	vld [tilespmem:s5+$0x12C70]  }
0x56: {  	v9 =	vld [tilespmem:s5+$0x12C80]  }
0x57: {  	v10 =	vld [tilespmem:s5+$0x12C90]  }
0x58: {  	v11 =	vld [tilespmem:s5+$0x12CA0]  }
0x59: {  	v12 =	vld [tilespmem:s5+$0x12CB0]  }
0x5a: {  	v13 =	vld [tilespmem:s5+$0x12CC0]  }
0x5b: {  	v14 =	vld [tilespmem:s5+$0x12CD0]  }
0x5c: {  	v0 =	vld [tilespmem:s5+$0x12CE0]  }
0x5d: {  	[tilespmem:s5+$0x6400] =	vst.add.f32.msk $0xffff, v1  }
0x5e: {  	[tilespmem:s5+$0x6410] =	vst.add.f32.msk $0xffff, v2  }
0x5f: {  	[tilespmem:s5+$0x6420] =	vst.add.f32.msk $0xffff, v3  }
0x60: {  	[tilespmem:s5+$0x6430] =	vst.add.f32.msk $0xffff, v4  }
0x61: {  	[tilespmem:s5+$0x6440] =	vst.add.f32.msk $0xffff, v5  }
0x62: {  	[tilespmem:s5+$0x6450] =	vst.add.f32.msk $0xffff, v6  }
0x63: {  	[tilespmem:s5+$0x6460] =	vst.add.f32.msk $0xffff, v7  }
0x64: {  	[tilespmem:s5+$0x6470] =	vst.add.f32.msk $0xffff, v8  }
0x65: {  	[tilespmem:s5+$0x6480] =	vst.add.f32.msk $0xffff, v9  }
.Ltmp0:
0x66: {  	[tilespmem:s5+$0x6490] =	vst.add.f32.msk $0xffff, v10;
	(pc) =	sbr.rel @p1 .LBB2_3-.Ltmp0, $4  }
0x67: {  	[tilespmem:s5+$0x64A0] =	vst.add.f32.msk $0xffff, v11  }
0x68: {  	[tilespmem:s5+$0x64B0] =	vst.add.f32.msk $0xffff, v12  }
0x69: {  	[tilespmem:s5+$0x64C0] =	vst.add.f32.msk $0xffff, v13  }
0x6a: {  	s7 =	sadd.s32 $0x400, s7;
	[tilespmem:s5+$0x64D0] =	vst.add.f32.msk $0xffff, v14  }
0x6b: {  	s7 =	sadd.s32 s3, s16  }
0x6c: {  	s7 =	sshll.u32 s7, $0x4  }
0x6d: {  	[tilespmem:s5+$0x64E0] =	vst.add.f32.msk $0xffff, v0;
	s5 =	simm.s32 @!p0 $0x8;
	s7 =	sadd.s32 s6, s7  }
0x6e: {  	[hbm4b:s7+s23] =	stream.strided.scatter [tilespmem:s13], [sflag:$0x5], $0x3200, s12, s23, $0x38;
	[tilespmem:$0x15E00] =	vst v63  }
0x6f: {  	_ =	swait.ge @!p0 [sflag:s5], $0x3200  }
0x70: {  	[sflag:s5] =	ssyncset.done @!p0 $0x0  }
0x71: {  	s18 =	sadd.s32 $0x258, s16;
	[sflag:s5] =	ssyncadd.s32 @!p0 $0xFFFFCE00  }
0x72: {  	[tilespmem:s24], [sflag:$0x4] =	stream.indirect.gather [hbm4b:s4+s12], $0x40, s18, s12, $0xb8;
	[tilespmem:$0x15E00] =	vst v63  }
0x73: {  	s8 =	sadd.s32 $0x2D8, s16  }
0x74: {  	[tilespmem:s25], [sflag:$0x4] =	stream.indirect.gather [hbm4b:s4+s14], $0x40, s8, s14, $0xb8;
	[tilespmem:$0x15E00] =	vst v63  }
0x75: {  	_ =	swait.ge [sflag:s26], $0x3200  }
0x76: {  	[sflag:s26] =	ssyncset.done $0x0  }
0x77: {  	s5 =	simm.s32 $0x0;
	[sflag:s26] =	ssyncadd.s32 $0xFFFFCE00  }
0x78: {  	v0 =	vld [tilespmem:s5+$0x12CF0]  }
0x79: {  	v1 =	vld [tilespmem:s5+$0x12C00]  }
0x7a: {  	v2 =	vld [tilespmem:s5+$0x12C10]  }
0x7b: {  	v3 =	vld [tilespmem:s5+$0x12C20]  }
0x7c: {  	v4 =	vld [tilespmem:s5+$0x12C30]  }
0x7d: {  	v5 =	vld [tilespmem:s5+$0x12C40]  }
0x7e: {  	v6 =	vld [tilespmem:s5+$0x12C50]  }
0x7f: {  	v7 =	vld [tilespmem:s5+$0x12C60]  }
0x80: {  	v8 =	vld [tilespmem:s5+$0x12C70]  }
0x81: {  	v9 =	vld [tilespmem:s5+$0x12C80]  }
0x82: {  	v10 =	vld [tilespmem:s5+$0x12C90]  }
0x83: {  	v11 =	vld [tilespmem:s5+$0x12CA0]  }
0x84: {  	v12 =	vld [tilespmem:s5+$0x12CB0]  }
0x85: {  	v13 =	vld [tilespmem:s5+$0x12CC0]  }
0x86: {  	v14 =	vld [tilespmem:s5+$0x12CD0]  }
0x87: {  	[tilespmem:s5+$0x96F0] =	vst.add.f32.msk $0xffff, v0  }
0x88: {  	v0 =	vld [tilespmem:s5+$0x12CE0]  }
0x89: {  	[tilespmem:s5+$0x9600] =	vst.add.f32.msk $0xffff, v1  }
0x8a: {  	[tilespmem:s5+$0x9610] =	vst.add.f32.msk $0xffff, v2  }
0x8b: {  	[tilespmem:s5+$0x9620] =	vst.add.f32.msk $0xffff, v3  }
0x8c: {  	[tilespmem:s5+$0x9630] =	vst.add.f32.msk $0xffff, v4  }
0x8d: {  	[tilespmem:s5+$0x9640] =	vst.add.f32.msk $0xffff, v5  }
0x8e: {  	[tilespmem:s5+$0x9650] =	vst.add.f32.msk $0xffff, v6  }
0x8f: {  	[tilespmem:s5+$0x9660] =	vst.add.f32.msk $0xffff, v7  }
0x90: {  	[tilespmem:s5+$0x9670] =	vst.add.f32.msk $0xffff, v8  }
0x91: {  	[tilespmem:s5+$0x9680] =	vst.add.f32.msk $0xffff, v9  }
0x92: {  	[tilespmem:s5+$0x9690] =	vst.add.f32.msk $0xffff, v10  }
0x93: {  	[tilespmem:s5+$0x96A0] =	vst.add.f32.msk $0xffff, v11  }
0x94: {  	[tilespmem:s5+$0x96B0] =	vst.add.f32.msk $0xffff, v12  }
0x95: {  	[tilespmem:s5+$0x96C0] =	vst.add.f32.msk $0xffff, v13  }
0x96: {  	s7 =	simm.s32 $0x0;
	s8 =	simm.s32 $0x400;
	[tilespmem:s5+$0x96D0] =	vst.add.f32.msk $0xffff, v14  }
.LBB2_5:
0x97: {  	s7 =	sadd.s32 $0x4, s7;
	[tilespmem:s5+$0x96E0] =	vst.add.f32.msk $0xffff, v0;
	s5 =	sshra.s32 s8, $0x2  }
0x98: {  	v0 =	vld [tilespmem:s5+$0x12CF0];
	p0 =	slt.u32 s7, $0xC4  }
0x99: {  	v1 =	vld [tilespmem:s5+$0x12C00]  }
0x9a: {  	v2 =	vld [tilespmem:s5+$0x12C10]  }
0x9b: {  	v3 =	vld [tilespmem:s5+$0x12C20]  }
0x9c: {  	v4 =	vld [tilespmem:s5+$0x12C30]  }
0x9d: {  	[tilespmem:s5+$0x96F0] =	vst.add.f32.msk $0xffff, v0  }
0x9e: {  	v5 =	vld [tilespmem:s5+$0x12C40]  }
0x9f: {  	v6 =	vld [tilespmem:s5+$0x12C50]  }
0xa0: {  	v7 =	vld [tilespmem:s5+$0x12C60]  }
0xa1: {  	v8 =	vld [tilespmem:s5+$0x12C70]  }
0xa2: {  	v9 =	vld [tilespmem:s5+$0x12C80]  }
0xa3: {  	v10 =	vld [tilespmem:s5+$0x12C90]  }
0xa4: {  	v11 =	vld [tilespmem:s5+$0x12CA0]  }
0xa5: {  	v12 =	vld [tilespmem:s5+$0x12CB0]  }
0xa6: {  	v13 =	vld [tilespmem:s5+$0x12CC0]  }
0xa7: {  	v14 =	vld [tilespmem:s5+$0x12CD0]  }
0xa8: {  	v0 =	vld [tilespmem:s5+$0x12CE0]  }
0xa9: {  	[tilespmem:s5+$0x9600] =	vst.add.f32.msk $0xffff, v1  }
0xaa: {  	[tilespmem:s5+$0x9610] =	vst.add.f32.msk $0xffff, v2  }
0xab: {  	[tilespmem:s5+$0x9620] =	vst.add.f32.msk $0xffff, v3  }
0xac: {  	[tilespmem:s5+$0x9630] =	vst.add.f32.msk $0xffff, v4  }
0xad: {  	[tilespmem:s5+$0x9640] =	vst.add.f32.msk $0xffff, v5  }
0xae: {  	[tilespmem:s5+$0x9650] =	vst.add.f32.msk $0xffff, v6  }
0xaf: {  	[tilespmem:s5+$0x9660] =	vst.add.f32.msk $0xffff, v7  }
0xb0: {  	[tilespmem:s5+$0x9670] =	vst.add.f32.msk $0xffff, v8  }
0xb1: {  	[tilespmem:s5+$0x9680] =	vst.add.f32.msk $0xffff, v9  }
.Ltmp1:
0xb2: {  	[tilespmem:s5+$0x9690] =	vst.add.f32.msk $0xffff, v10;
	(pc) =	sbr.rel @p0 .LBB2_5-.Ltmp1, $4  }
0xb3: {  	[tilespmem:s5+$0x96A0] =	vst.add.f32.msk $0xffff, v11  }
0xb4: {  	[tilespmem:s5+$0x96B0] =	vst.add.f32.msk $0xffff, v12  }
0xb5: {  	[tilespmem:s5+$0x96C0] =	vst.add.f32.msk $0xffff, v13  }
0xb6: {  	s8 =	sadd.s32 $0x400, s8;
	[tilespmem:s5+$0x96D0] =	vst.add.f32.msk $0xffff, v14  }
0xb7: {  	s7 =	sadd.s32 s9, s16  }
0xb8: {  	s7 =	sshll.u32 s7, $0x4  }
0xb9: {  	p0 =	seq.s32 s15, $0x1F;
	s7 =	sand.u32 $0x1FFFFE80, s7  }
0xba: {  	[tilespmem:s5+$0x96E0] =	vst.add.f32.msk $0xffff, v0;
	s5 =	simm.s32 @!p0 $0x5;
	s8 =	sadd.s32 s6, s7  }
0xbb: {  	[hbm4b:s8+s23] =	stream.strided.scatter [tilespmem:s17], [sflag:$0x6], $0x3200, s12, s23, $0x38;
	[tilespmem:$0x15E00] =	vst v63  }
0xbc: {  	_ =	swait.ge @!p0 [sflag:s5], $0x3200  }
0xbd: {  	s7 =	simm.s32 @!p0 $0x80;
	[sflag:s5] =	ssyncset.done @!p0 $0x0  }
0xbe: {  	s8 =	simm.s32 @!p0 $0x6400;
	[sflag:s5] =	ssyncadd.s32 @!p0 $0xFFFFCE00;
	s5 =	sadd.s32 @!p0 $0x320, s16  }
0xbf: {  	[tilespmem:s8], [sflag:$0x1] =	stream.indirect.gather @!p0 [hbm4b:s4+s7], $0x40, s5, s7, $0xb8;
	[tilespmem:$0x15E00] =	vst v63  }
0xc0: {  	s5 =	sadd.s32 @!p0 $0x3A0, s16;
	s7 =	simm.s32 @!p0 $0x48;
	s8 =	simm.s32 @!p0 $0x8400  }
0xc1: {  	[tilespmem:s8], [sflag:$0x1] =	stream.indirect.gather @!p0 [hbm4b:s4+s7], $0x40, s5, s7, $0xb8;
	[tilespmem:$0x15E00] =	vst v63  }
0xc2: {  	_ =	swait.ge [sflag:s28], $0x3200  }
0xc3: {  	[sflag:s28] =	ssyncset.done $0x0  }
0xc4: {  	s5 =	simm.s32 $0x0;
	[sflag:s28] =	ssyncadd.s32 $0xFFFFCE00  }
0xc5: {  	v0 =	vld [tilespmem:s5+$0x12CF0]  }
0xc6: {  	v1 =	vld [tilespmem:s5+$0x12C00]  }
0xc7: {  	v2 =	vld [tilespmem:s5+$0x12C10]  }
0xc8: {  	v3 =	vld [tilespmem:s5+$0x12C20]  }
0xc9: {  	v4 =	vld [tilespmem:s5+$0x12C30]  }
0xca: {  	v5 =	vld [tilespmem:s5+$0x12C40]  }
0xcb: {  	v6 =	vld [tilespmem:s5+$0x12C50]  }
0xcc: {  	v7 =	vld [tilespmem:s5+$0x12C60]  }
0xcd: {  	v8 =	vld [tilespmem:s5+$0x12C70]  }
0xce: {  	v9 =	vld [tilespmem:s5+$0x12C80]  }
0xcf: {  	v10 =	vld [tilespmem:s5+$0x12C90]  }
0xd0: {  	v11 =	vld [tilespmem:s5+$0x12CA0]  }
0xd1: {  	v12 =	vld [tilespmem:s5+$0x12CB0]  }
0xd2: {  	v13 =	vld [tilespmem:s5+$0x12CC0]  }
0xd3: {  	v14 =	vld [tilespmem:s5+$0x12CD0]  }
0xd4: {  	[tilespmem:s5+$0xC8F0] =	vst.add.f32.msk $0xffff, v0  }
0xd5: {  	v0 =	vld [tilespmem:s5+$0x12CE0]  }
0xd6: {  	[tilespmem:s5+$0xC800] =	vst.add.f32.msk $0xffff, v1  }
0xd7: {  	[tilespmem:s5+$0xC810] =	vst.add.f32.msk $0xffff, v2  }
0xd8: {  	[tilespmem:s5+$0xC820] =	vst.add.f32.msk $0xffff, v3  }
0xd9: {  	[tilespmem:s5+$0xC830] =	vst.add.f32.msk $0xffff, v4  }
0xda: {  	[tilespmem:s5+$0xC840] =	vst.add.f32.msk $0xffff, v5  }
0xdb: {  	[tilespmem:s5+$0xC850] =	vst.add.f32.msk $0xffff, v6  }
0xdc: {  	[tilespmem:s5+$0xC860] =	vst.add.f32.msk $0xffff, v7  }
0xdd: {  	[tilespmem:s5+$0xC870] =	vst.add.f32.msk $0xffff, v8  }
0xde: {  	[tilespmem:s5+$0xC880] =	vst.add.f32.msk $0xffff, v9  }
0xdf: {  	[tilespmem:s5+$0xC890] =	vst.add.f32.msk $0xffff, v10  }
0xe0: {  	[tilespmem:s5+$0xC8A0] =	vst.add.f32.msk $0xffff, v11  }
0xe1: {  	[tilespmem:s5+$0xC8B0] =	vst.add.f32.msk $0xffff, v12  }
0xe2: {  	[tilespmem:s5+$0xC8C0] =	vst.add.f32.msk $0xffff, v13  }
0xe3: {  	s7 =	simm.s32 $0x0;
	s8 =	simm.s32 $0x400;
	[tilespmem:s5+$0xC8D0] =	vst.add.f32.msk $0xffff, v14  }
.LBB2_7:
0xe4: {  	s7 =	sadd.s32 $0x4, s7;
	[tilespmem:s5+$0xC8E0] =	vst.add.f32.msk $0xffff, v0;
	s5 =	sshra.s32 s8, $0x2  }
0xe5: {  	v0 =	vld [tilespmem:s5+$0x12CF0];
	p1 =	slt.u32 s7, $0xC4  }
0xe6: {  	v1 =	vld [tilespmem:s5+$0x12C00]  }
0xe7: {  	v2 =	vld [tilespmem:s5+$0x12C10]  }
0xe8: {  	v3 =	vld [tilespmem:s5+$0x12C20]  }
0xe9: {  	v4 =	vld [tilespmem:s5+$0x12C30]  }
0xea: {  	[tilespmem:s5+$0xC8F0] =	vst.add.f32.msk $0xffff, v0  }
0xeb: {  	v5 =	vld [tilespmem:s5+$0x12C40]  }
0xec: {  	v6 =	vld [tilespmem:s5+$0x12C50]  }
0xed: {  	v7 =	vld [tilespmem:s5+$0x12C60]  }
0xee: {  	v8 =	vld [tilespmem:s5+$0x12C70]  }
0xef: {  	v9 =	vld [tilespmem:s5+$0x12C80]  }
0xf0: {  	v10 =	vld [tilespmem:s5+$0x12C90]  }
0xf1: {  	v11 =	vld [tilespmem:s5+$0x12CA0]  }
0xf2: {  	v12 =	vld [tilespmem:s5+$0x12CB0]  }
0xf3: {  	v13 =	vld [tilespmem:s5+$0x12CC0]  }
0xf4: {  	v14 =	vld [tilespmem:s5+$0x12CD0]  }
0xf5: {  	v0 =	vld [tilespmem:s5+$0x12CE0]  }
0xf6: {  	[tilespmem:s5+$0xC800] =	vst.add.f32.msk $0xffff, v1  }
0xf7: {  	[tilespmem:s5+$0xC810] =	vst.add.f32.msk $0xffff, v2  }
0xf8: {  	[tilespmem:s5+$0xC820] =	vst.add.f32.msk $0xffff, v3  }
0xf9: {  	[tilespmem:s5+$0xC830] =	vst.add.f32.msk $0xffff, v4  }
0xfa: {  	[tilespmem:s5+$0xC840] =	vst.add.f32.msk $0xffff, v5  }
0xfb: {  	[tilespmem:s5+$0xC850] =	vst.add.f32.msk $0xffff, v6  }
0xfc: {  	[tilespmem:s5+$0xC860] =	vst.add.f32.msk $0xffff, v7  }
0xfd: {  	[tilespmem:s5+$0xC870] =	vst.add.f32.msk $0xffff, v8  }
0xfe: {  	[tilespmem:s5+$0xC880] =	vst.add.f32.msk $0xffff, v9  }
.Ltmp2:
0xff: {  	[tilespmem:s5+$0xC890] =	vst.add.f32.msk $0xffff, v10;
	(pc) =	sbr.rel @p1 .LBB2_7-.Ltmp2, $4  }
0x100: {  	[tilespmem:s5+$0xC8A0] =	vst.add.f32.msk $0xffff, v11  }
0x101: {  	[tilespmem:s5+$0xC8B0] =	vst.add.f32.msk $0xffff, v12  }
0x102: {  	[tilespmem:s5+$0xC8C0] =	vst.add.f32.msk $0xffff, v13  }
0x103: {  	s8 =	sadd.s32 $0x400, s8;
	[tilespmem:s5+$0xC8D0] =	vst.add.f32.msk $0xffff, v14  }
0x104: {  	s7 =	sadd.s32 s3, s19  }
0x105: {  	s7 =	sshll.u32 s7, $0x4  }
0x106: {  	s7 =	sand.u32 $0x1FFFFF00, s7  }
0x107: {  	[tilespmem:s5+$0xC8E0] =	vst.add.f32.msk $0xffff, v0;
	s5 =	simm.s32 @!p0 $0x6;
	s19 =	sadd.s32 s6, s7  }
0x108: {  	[hbm4b:s19+s23] =	stream.strided.scatter [tilespmem:s20], [sflag:$0x7], $0x3200, s12, s23, $0x38;
	[tilespmem:$0x15E00] =	vst v63  }
0x109: {  	_ =	swait.ge @!p0 [sflag:s5], $0x3200  }
0x10a: {  	s8 =	simm.s32 @!p0 $0x9600;
	[sflag:s5] =	ssyncset.done @!p0 $0x0  }
0x10b: {  	s7 =	simm.s32 @!p0 $0x80;
	[sflag:s5] =	ssyncadd.s32 @!p0 $0xFFFFCE00;
	s5 =	sadd.s32 @!p0 $0x3E8, s16  }
0x10c: {  	[tilespmem:s8], [sflag:$0x2] =	stream.indirect.gather @!p0 [hbm4b:s4+s7], $0x40, s5, s7, $0xb8;
	[tilespmem:$0x15E00] =	vst v63  }
0x10d: {  	s5 =	sadd.s32 @!p0 $0x468, s16;
	s7 =	simm.s32 @!p0 $0x48;
	s8 =	simm.s32 @!p0 $0xB600  }
0x10e: {  	[tilespmem:s8], [sflag:$0x2] =	stream.indirect.gather @!p0 [hbm4b:s4+s7], $0x40, s5, s7, $0xb8;
	[tilespmem:$0x15E00] =	vst v63  }
0x10f: {  	_ =	swait.ge [sflag:s29], $0x3200  }
0x110: {  	[sflag:s29] =	ssyncset.done $0x0  }
0x111: {  	s5 =	simm.s32 $0x0;
	[sflag:s29] =	ssyncadd.s32 $0xFFFFCE00  }
0x112: {  	v0 =	vld [tilespmem:s5+$0x12CF0]  }
0x113: {  	v1 =	vld [tilespmem:s5+$0x12C00]  }
0x114: {  	v2 =	vld [tilespmem:s5+$0x12C10]  }
0x115: {  	v3 =	vld [tilespmem:s5+$0x12C20]  }
0x116: {  	v4 =	vld [tilespmem:s5+$0x12C30]  }
0x117: {  	v5 =	vld [tilespmem:s5+$0x12C40]  }
0x118: {  	v6 =	vld [tilespmem:s5+$0x12C50]  }
0x119: {  	v7 =	vld [tilespmem:s5+$0x12C60]  }
0x11a: {  	v8 =	vld [tilespmem:s5+$0x12C70]  }
0x11b: {  	v9 =	vld [tilespmem:s5+$0x12C80]  }
0x11c: {  	v10 =	vld [tilespmem:s5+$0x12C90]  }
0x11d: {  	v11 =	vld [tilespmem:s5+$0x12CA0]  }
0x11e: {  	v12 =	vld [tilespmem:s5+$0x12CB0]  }
0x11f: {  	v13 =	vld [tilespmem:s5+$0x12CC0]  }
0x120: {  	v14 =	vld [tilespmem:s5+$0x12CD0]  }
0x121: {  	[tilespmem:s5+$0xFAF0] =	vst.add.f32.msk $0xffff, v0  }
0x122: {  	v0 =	vld [tilespmem:s5+$0x12CE0]  }
0x123: {  	[tilespmem:s5+$0xFA00] =	vst.add.f32.msk $0xffff, v1  }
0x124: {  	[tilespmem:s5+$0xFA10] =	vst.add.f32.msk $0xffff, v2  }
0x125: {  	[tilespmem:s5+$0xFA20] =	vst.add.f32.msk $0xffff, v3  }
0x126: {  	[tilespmem:s5+$0xFA30] =	vst.add.f32.msk $0xffff, v4  }
0x127: {  	[tilespmem:s5+$0xFA40] =	vst.add.f32.msk $0xffff, v5  }
0x128: {  	[tilespmem:s5+$0xFA50] =	vst.add.f32.msk $0xffff, v6  }
0x129: {  	[tilespmem:s5+$0xFA60] =	vst.add.f32.msk $0xffff, v7  }
0x12a: {  	[tilespmem:s5+$0xFA70] =	vst.add.f32.msk $0xffff, v8  }
0x12b: {  	[tilespmem:s5+$0xFA80] =	vst.add.f32.msk $0xffff, v9  }
0x12c: {  	[tilespmem:s5+$0xFA90] =	vst.add.f32.msk $0xffff, v10  }
0x12d: {  	[tilespmem:s5+$0xFAA0] =	vst.add.f32.msk $0xffff, v11  }
0x12e: {  	[tilespmem:s5+$0xFAB0] =	vst.add.f32.msk $0xffff, v12  }
0x12f: {  	[tilespmem:s5+$0xFAC0] =	vst.add.f32.msk $0xffff, v13  }
0x130: {  	s7 =	simm.s32 $0x0;
	s8 =	simm.s32 $0x400;
	[tilespmem:s5+$0xFAD0] =	vst.add.f32.msk $0xffff, v14  }
.LBB2_9:
0x131: {  	s7 =	sadd.s32 $0x4, s7;
	[tilespmem:s5+$0xFAE0] =	vst.add.f32.msk $0xffff, v0;
	s5 =	sshra.s32 s8, $0x2  }
0x132: {  	v0 =	vld [tilespmem:s5+$0x12CF0];
	p0 =	slt.u32 s7, $0xC4  }
0x133: {  	v1 =	vld [tilespmem:s5+$0x12C00]  }
0x134: {  	v2 =	vld [tilespmem:s5+$0x12C10]  }
0x135: {  	v3 =	vld [tilespmem:s5+$0x12C20]  }
0x136: {  	v4 =	vld [tilespmem:s5+$0x12C30]  }
0x137: {  	[tilespmem:s5+$0xFAF0] =	vst.add.f32.msk $0xffff, v0  }
0x138: {  	v5 =	vld [tilespmem:s5+$0x12C40]  }
0x139: {  	v6 =	vld [tilespmem:s5+$0x12C50]  }
0x13a: {  	v7 =	vld [tilespmem:s5+$0x12C60]  }
0x13b: {  	v8 =	vld [tilespmem:s5+$0x12C70]  }
0x13c: {  	v9 =	vld [tilespmem:s5+$0x12C80]  }
0x13d: {  	v10 =	vld [tilespmem:s5+$0x12C90]  }
0x13e: {  	v11 =	vld [tilespmem:s5+$0x12CA0]  }
0x13f: {  	v12 =	vld [tilespmem:s5+$0x12CB0]  }
0x140: {  	v13 =	vld [tilespmem:s5+$0x12CC0]  }
0x141: {  	v14 =	vld [tilespmem:s5+$0x12CD0]  }
0x142: {  	v0 =	vld [tilespmem:s5+$0x12CE0]  }
0x143: {  	[tilespmem:s5+$0xFA00] =	vst.add.f32.msk $0xffff, v1  }
0x144: {  	[tilespmem:s5+$0xFA10] =	vst.add.f32.msk $0xffff, v2  }
0x145: {  	[tilespmem:s5+$0xFA20] =	vst.add.f32.msk $0xffff, v3  }
0x146: {  	[tilespmem:s5+$0xFA30] =	vst.add.f32.msk $0xffff, v4  }
0x147: {  	[tilespmem:s5+$0xFA40] =	vst.add.f32.msk $0xffff, v5  }
0x148: {  	[tilespmem:s5+$0xFA50] =	vst.add.f32.msk $0xffff, v6  }
0x149: {  	[tilespmem:s5+$0xFA60] =	vst.add.f32.msk $0xffff, v7  }
0x14a: {  	[tilespmem:s5+$0xFA70] =	vst.add.f32.msk $0xffff, v8  }
0x14b: {  	[tilespmem:s5+$0xFA80] =	vst.add.f32.msk $0xffff, v9  }
.Ltmp3:
0x14c: {  	[tilespmem:s5+$0xFA90] =	vst.add.f32.msk $0xffff, v10;
	(pc) =	sbr.rel @p0 .LBB2_9-.Ltmp3, $4  }
0x14d: {  	[tilespmem:s5+$0xFAA0] =	vst.add.f32.msk $0xffff, v11  }
0x14e: {  	[tilespmem:s5+$0xFAB0] =	vst.add.f32.msk $0xffff, v12  }
0x14f: {  	[tilespmem:s5+$0xFAC0] =	vst.add.f32.msk $0xffff, v13  }
0x150: {  	s8 =	sadd.s32 $0x400, s8;
	[tilespmem:s5+$0xFAD0] =	vst.add.f32.msk $0xffff, v14  }
0x151: {  	s15 =	sadd.s32 $0x1, s15  }
0x152: {  	p0 =	sne.s32 s15, $0x20  }
.Ltmp4:
0x153: {  	s7 =	sadd.s32 s3, s18;
	(pc) =	sbr.rel @p0 .LBB2_2-.Ltmp4, $4  }
0x154: {  	s7 =	sshll.u32 s7, $0x4  }
0x155: {  	s7 =	sand.u32 $0x1FFFFF80, s7  }
0x156: {  	[tilespmem:s5+$0xFAE0] =	vst.add.f32.msk $0xffff, v0;
	s19 =	sadd.s32 s6, s7  }
0x157: {  	[hbm4b:s19+s23] =	stream.strided.scatter [tilespmem:s24], [sflag:$0x8], $0x3200, s12, s23, $0x38;
	[tilespmem:$0x15E00] =	vst v63  }
0x158: {  	_ =	swait.ge [sflag:s30], $0x3200  }
0x159: {  	[sflag:s30] =	ssyncset.done $0x0  }
0x15a: {  	[sflag:s30] =	ssyncadd.s32 $0xFFFFCE00  }
0x15b: {  	_ =	swait.ge [sflag:s31], $0x3200  }
0x15c: {  	[sflag:s31] =	ssyncset.done $0x0  }
0x15d: {  	[sflag:s31] =	ssyncadd.s32 $0xFFFFCE00  }
0x15e: {  	_ =	swait.ge [sflag:s0], $0x3200  }
0x15f: {  	[sflag:s0] =	ssyncset.done $0x0  }
0x160: {  	[sflag:s0] =	ssyncadd.s32 $0xFFFFCE00  }
0x161: {  	_ =	swait.ge [sflag:s1], $0x3200  }
0x162: {  	s10 =	sadd.s32 $0x1, s10;
	s5 =	rddreg [dreg:$0x5]  }
0x163: {  	p0 =	sne.s32 s10, s5  }
.Ltmp5:
0x164: {  	_ = 	snop;
	(pc) =	sbr.rel @p0 .LBB2_1-.Ltmp5, $3  }
0x165: {  	_ =	sdelay $0x1  }
0x166: {  	[sflag:s1] =	ssyncset.done $0x0  }
0x167: {  	[sflag:s1] =	ssyncadd.s32 $0xFFFFCE00  }
0x168: {  	_ =	sfence.sel $0x180000  }
0x169: {  	[bflag:$0x0] =	sbarrier.arrive $0xFFFF  }
0x16a: {  	_ =	strace $0x90000047  }
0x16b: {  	s0 =	stileid.u32;
	[bflag:$0x2] =	sbarrier.arrive $0xFFFF  }
0x16c: {  	p0 =	sne.s32 s0, $0x0;
	s0 =	rddreg [dreg:$0x2]  }
0x16d: {  	s0 =	sadd.s32 @!p0 $0x100000, s0  }
0x16e: {  	[sflag:s0] =	ssyncadd.tile.s32 @!p0 $0x1;
	_ =	shalt  }
.Lfunc_end2:
_tile_overlayer_lowered:
.L_overlay_start_2:
0x16f: {  	(tag) =	ssettag $0x2  }
0x170: {  	s0 =	rddreg [dreg:$0x0];
	s2 =	stileid.u32  }
0x171: {  	s1 =	rddreg [dreg:$0x1];
	p0 =	sne.s32 s2, $0x0  }
0x172: {  	s3 =	rddreg [dreg:$0x2];
	[bflag:$0x3] =	sbarrier.arrive $0xFFFF;
	s2 =	simm.s32 @!p0 $0x1C09  }
0x173: {  	[timem:s3], [sflag:s2] =	dma.local @!p0 [hbm:s0], s1  }
0x174: {  	s0 =	simm.s32 @!p0 $0x9  }
0x175: {  	_ =	swait.ge @!p0 [sflag:s0], s1  }
0x176: {  	s1 =	ssub.s32 @!p0 $0x0, s1;
	[sflag:s0] =	ssyncset.done @!p0 $0x0  }
0x177: {  	[sflag:s0] =	ssyncadd.s32 @!p0 s1  }
0x178: {  	[bflag:$0x3] =	sbarrier.arrive $0xFFFF  }
0x179: {  	_ =	shalt  }

// kernel: sparse-core-data-format-call.cloned.1.call-start
scs
called_computation_lowered:
.L_overlay_start_0:
0x0: {  	s2 =	sld [smem:$0x3FD9]  }
0x1: {  	s3 =	sld [smem:$0x3FFE];
	_ =	sdelay $0x1  }
0x2: {  	s1 =	srdreg.scid  }
0x3: {  	s0 =	sand.u32 $0x1, s1  }
0x4: {  	s18 =	sshll.u32 s0, $0xA;
	s2 =	sadd.s32 s3, s2  }
0x5: {  	s2 =	sadd.s32 s2, s18  }
0x6: {  	[smem:$0x3FC6] =	sst s2  }
0x7: {  	_ = 	snop  }
0x8: {  	s2 =	sld [smem:$0x3FD0];
	(tm) =	ssettm $0x1  }
0x9: {  	s19 =	sld [smem:$0x3FFB];
	_ =	sdelay $0x3  }
0xa: {  	_ =	strace s19  }
0xb: {  	s3 =	sld [smem:$0x3FFC];
	_ =	sdelay $0x3  }
0xc: {  	_ =	strace s3  }
0xd: {  	s3 =	sld [smem:$0x3FFD];
	_ =	sdelay $0x3  }
0xe: {  	_ =	strace s3  }
0xf: {  	_ =	strace $0x8FFFFFFF  }
0x10: {  	s20 =	sld [smem:$0x3FDB];
	_ =	sdelay $0x1  }
0x11: {  	s4 =	simm.s32 $_scs_section_size  }
0x12: {  	s5 =	simm.s32 $_size__tile_overlayer_lowered;
	s6 =	simm.s32 $_tile_overlayer_lowered  }
0x13: {  	s23 =	simm.s32 $0x1BFF;
	s22 =	sshll.u32 s6, $0x1;
	s3 =	sadd.s32 s4, s20  }
0x14: {  	s7 =	simm.s32 $0x0;
	s21 =	sshll.u32 s5, $0x1;
	s5 =	sadd.s32 s22, s3  }
0x15: {  	[timem:s7], [sflag:s23] =	dma.local [hbm:s5], s21  }
0x16: {  	_ =	swait.ge [sflag:s23], s21  }
0x17: {  	s4 =	ssub.s32 $0x0, s21;
	[sflag:s23] =	ssyncset.done $0x0  }
0x18: {  	[sflag:s23] =	ssyncadd.s32 s4;
	_ =	sdelay $0x1  }
0x19: {  	s24 =	simm.s32 $0x1B8B  }
0x1a: {  	_ =	swait.ge [sflag:s24], $0x1  }
0x1b: {  	[sflag:s24] =	ssyncset.done $0x0  }
0x1c: {  	s26 =	simm.s32 $0x1B8E;
	s25 =	sld [smem:$0x3FFE];
	[sflag:s24] =	ssyncadd.s32 $0xFFFFFFFF  }
0x1d: {  	s27 =	simm.s32 $execute0_lowered;
	[smem:$0x3FD2] =	sst s26  }
0x1e: {  	s5 =	sshll.u32 s27, $0x1;
	_ =	strace $0x80000049;
	[dreg:$0x1] =	wrdreg $0xFFFFFFFF  }
0x1f: {  	s28 =	simm.s32 $_size_execute0_lowered;
	s3 =	sadd.s32 s3, s5;
	[dreg:$0x0] =	wrdreg $0x0  }
0x20: {  	s5 =	sshll.u32 s28, $0x1;
	[dreg:$0x2] =	wrdreg s3  }
0x21: {  	[dreg:$0x3] =	wrdreg s5  }
0x22: {  	[dreg:$0x4] =	wrdreg $0xC0  }
0x23: {  	_ =	task [dreg:s7], $0x5FFFF  }
0x24: {  	[dreg:$0x1] =	wrdreg $0xFFFFFFFF  }
0x25: {  	[dreg:$0x0] =	wrdreg $0x60  }
0x26: {  	[dreg:$0x2] =	wrdreg s25  }
0x27: {  	[dreg:$0x3] =	wrdreg s2  }
0x28: {  	[dreg:$0x4] =	wrdreg $0x9  }
0x29: {  	_ =	task.clear_ibuf [dreg:s7], $0x5FFFF;
	_ =	strace $0x90000049  }
0x2a: {  	s29 =	simm.s32 $0x9;
	_ =	strace $0x8000004B  }
0x2b: {  	_ =	swait.ge [sflag:s29], $0x1  }
0x2c: {  	[sflag:s29] =	ssyncadd.s32 $0xFFFFFFFF  }
0x2d: {  	_ =	strace $0x9000004B  }
0x2e: {  	_ =	sfence  }
0x2f: {  	s30 =	sld [smem:$0x0];
	_ =	sdelay $0x2  }
0x30: {  	s31 =	sshll.u32 s1, $0xD;
	s1 =	sshrl.u32 s1, $0x2  }
0x31: {  	s3 =	sand.u32 $0x4000, s31;
	s1 =	sadd.s32 s1, s30  }
0x32: {  	s0 =	sor.u32 s3, s0;
	s1 =	sshll.u32 s1, $0x11  }
0x33: {  	s0 =	sor.u32 s1, s0  }
0x34: {  	s0 =	sadd.s32 $0x8F2B, s0  }
0x35: {  	[sflag:s0] =	ssyncadd.remote.s32 $0x1  }
0x36: {  	_ =	sfence.sel $0xFFFF  }
0x37: {  	[dreg:$0x0] =	wrdreg $0xFFFFFFFF;
	(pc) =	sbr.abs _section_cstart, $3  }
0x38: {  	[dreg:$0x1] =	wrdreg $0xFFFFFFFF  }
0x39: {  	_ =	task.clear_ibuf [dreg:s7], $0x2FFFF;
	_ =	strace $0x9FFFFFFF  }
0x3a: {  	(tm) =	ssettm $0x7FFFFFFF  }
0x3b: {  	_ =	shalt  }
tec
execute0_lowered:
.L_overlay_start_1:
0x0: {  	(tag) =	ssettag $0x1  }
0x1: {  	s0 =	srdreg.scid  }
0x2: {  	s1 =	sshll.u32 s0, $0x4  }
0x3: {  	s0 =	stileid.u32;
	s1 =	sand.u32 $0x10, s1  }
0x4: {  	s1 =	sor.u32 s0, s1  }
0x5: {  	s6 =	rddreg [dreg:$0x0];
	s4 =	simm.s32 $0x1;
	s2 =	sshll.u32 s1, $0x7  }
0x6: {  	s7 =	simm.s32 $0x2;
	s12 =	simm.s32 $0x0;
	s1 =	ssub.s32 $0x1000, s2  }
0x7: {  	s8 =	simm.s32 $0x8000;
	s13 =	simm.s32 $0x0;
	s3 =	sand.u32 $0xF80, s1  }
0x8: {  	s9 =	simm.s32 $0x0;
	s5 =	sshrl.u32 s1, $0xC;
	p0 =	sne.s32 s3, $0x0  }
.Ltmp0:
0x9: {  	s1 =	rddreg [dreg:$0x2];
	s4 =	simm.s32 @!p0 $0x0;
	(pc) =	sbr.rel .LBB1_1-.Ltmp0, $4  }
0xa: {  	s11 =	simm.s32 $0x0;
	s3 =	rddreg [dreg:$0x1];
	s5 =	sadd.s32 s4, s5  }
0xb: {  	_ =	strace $0x8000004A;
	s4 =	simm.s32 $0x1;
	s5 =	smul.u32 $0xC8, s5  }
0xc: {  	s6 =	sadd.s32 $0xC00, s6;
	s10 =	smov.u32 s2;
	[sflag:s4] =	ssyncpa.u1 $0x0  }
0xd: {  	p0 =	por $0x0, $0x0;
	[sflag:s7] =	ssyncpa.u1 $0x0;
	s7 =	sor.u32 $0x1, s5  }
.LBB1_4:
0xe: {  	s16 =	sshll.u32 s13, $0x3;
	s17 =	sand.u32 $0x78, s13  }
0xf: {  	s30 =	sand.u32 $0x7E00, s13;
	s12 =	sshll.u32 s12, $0xF;
	s16 =	sand.u32 $0xC00, s16  }
0x10: {  	[tilespmem:s15+$0x810 ss:$0x81] =	vst.msk $0xffff, v2;
	s31 =	sand.u32 $0x7, s13;
	s16 =	sor.u32 s17, s16;
	s17 =	sadd.s32 s3, s30  }
0x11: {  	[tilespmem:s15+$0x1020 ss:$0x81] =	vst.msk $0xffff, v0;
	s13 =	sshll.u32 s31, $0x12;
	s12 =	sadd.s32 s12, s17;
	s16 =	sshrl.u32 s16, $0x3  }
0x12: {  	[tilespmem:s15+$0x0 ss:$0x81] =	vst.msk $0xffff, v1;
	s13 =	sor.u32 $0x400, s13;
	s12 =	sadd.s32 s16, s12  }
0x13: {  	[hbm4b:s12+s13] =	stream.strided.scatter [tilespmem:s14], [sflag:$0x2], $0x2000, s8, s13, $0x20;
	[tilespmem:$0x8080] =	vst v63  }
.LBB1_5:
0x14: {  	s14 =	sadd.s32 $0x1, s9  }
0x15: {  	s12 =	sadd.s32 $0x1000, s10;
	s16 =	smov.u32 s10;
	p2 =	sgt.s32 s14, $0xC7  }
0x16: {  	s16 =	smov.u32 @p2 s12  }
0x17: {  	s14 =	simm.s32 @p2 $0x0;
	p2 =	sgt.s32 s16, $0xFFF  }
0x18: {  	s16 =	smov.u32 @p2 s2;
	p2 =	sne.s32 s11, s7  }
.Ltmp1:
0x19: {  	p1 =	slt.u32 s11, $0x2;
	(pc) =	sbr.rel @!p2 .LBB1_6-.Ltmp1, $4  }
0x1a: {  	s15 =	simm.s32 @!p1 $0x2  }
0x1b: {  	s13 =	smov.u32 s10;
	p0 =	por !p0, !p0;
	_ =	swait.ge @!p1 [sflag:s15], $0x2000  }
0x1c: {  	s12 =	smov.u32 s9;
	[sflag:s15] =	ssyncset.done @!p1 $0x0;
	s9 =	smov.u32 s14  }
0x1d: {  	s11 =	sadd.s32 $0x1, s11;
	[sflag:s15] =	ssyncadd.s32 @!p1 $0xFFFFE000;
	s10 =	smov.u32 s16  }
.LBB1_1:
0x1e: {  	p1 =	sge.u32 s11, s5  }
0x1f: {  	s14 =	sand.u32 @!p1 $0x1FFFFFF, s9  }
0x20: {  	s15 =	smulhi.u32 @!p1 $0x147AE15, s14;
	_ =	sdelay $0x1  }
0x21: {  	s15 =	smul.u32 @!p1 $0xC8, s15  }
0x22: {  	s16 =	sxor.u32 @!p1 $0xFFFFFFFF, s11;
	s17 =	smul.u32 @!p1 $0xC80, s10  }
0x23: {  	s31 =	sadd.s32 $0xFFFFFFFF, s11;
	s16 =	sshll.u32 @!p1 s16, $0xD;
	s14 =	ssub.s32 @!p1 s14, s15  }
0x24: {  	s15 =	sand.u32 @!p1 $0x2000, s16;
	s16 =	sadd.s32 @!p1 s6, s17;
	s14 =	sshll.u32 @!p1 s14, $0x4  }
0x25: {  	s17 =	simm.s32 @!p1 $0x6400;
	s14 =	sadd.s32 @!p1 s14, s16;
	s16 =	simm.s32 @!p1 $0x40  }
0x26: {  	[tilespmem:s15], [sflag:$0x1] =	stream.strided.gather @!p1 [hbm4b:s14+s16], $0x2000, s17, s16, $0x38;
	[tilespmem:$0x8080] =	vst v63  }
0x27: {  	p1 =	sge.u32 s31, s5  }
.Ltmp2:
0x28: {  	_ = 	snop;
	(pc) =	sbr.rel @p1 .LBB1_5-.Ltmp2, $1  }
0x29: {  	_ =	sdelay $0x3  }
0x2a: {  	s14 =	simm.s32 $0x1  }
0x2b: {  	_ =	swait.ge [sflag:s4], $0x2000;
	s14 =	simm.s32 @!p0 $0x0  }
0x2c: {  	[sflag:s4] =	ssyncset.done $0x0;
	s15 =	sshll.u32 s14, $0xD  }
0x2d: {  	[sflag:s4] =	ssyncadd.s32 $0xFFFFE000;
	s18 =	sor.u32 $0x20, s15  }
0x2e: {  	s14 =	smul.u32 $0x8100, s14;
	v3 =	vld [tilespmem:s18+$0x10]  }
0x2f: {  	s30 =	sand.u32 $0x1, s11;
	v2 =	vld [tilespmem:s18+$0xFFFFFFF0]  }
0x30: {  	s15 =	smul.u32 $0x8100, s30;
	s14 =	sshrl.u32 s14, $0x2;
	v0 =	vld [tilespmem:s18+$0x0]  }
0x31: {  	v1 =	vld [tilespmem:s18+$0xFFFFFFE0];
	s16 =	sor.u32 $0x4000, s14  }
0x32: {  	s31 =	sshrl.u32 s15, $0x2;
	s15 =	sadd.s32 $0x0, s16  }
0x33: {  	s17 =	simm.s32 $0x4;
	s18 =	sadd.s32 $0x40, s18;
	s14 =	sor.u32 $0x4000, s31;
	[tilespmem:s15+$0x1830 ss:$0x81] =	vst.msk $0xffff, v3  }
.LBB1_3:
0x34: {  	v3 =	vld [tilespmem:s18+$0x10];
	p1 =	sne.s32 s17, $0x1FC;
	[tilespmem:s15+$0x810 ss:$0x81] =	vst.msk $0xffff, v2;
	s19 =	smov.u32 s17;
	s17 =	sadd.s32 $0x4, s17  }
.Ltmp3:
0x35: {  	v2 =	vld [tilespmem:s18+$0xFFFFFFF0];
	[tilespmem:s15+$0x1020 ss:$0x81] =	vst.msk $0xffff, v0;
	(pc) =	sbr.rel @p1 .LBB1_3-.Ltmp3, $4  }
0x36: {  	v0 =	vld [tilespmem:s18+$0x0];
	[tilespmem:s15+$0x0 ss:$0x81] =	vst.msk $0xffff, v1  }
0x37: {  	s15 =	sshra.s32 s19, $0x2;
	v1 =	vld [tilespmem:s18+$0xFFFFFFE0]  }
0x38: {  	s15 =	sadd.s32 s15, s16  }
0x39: {  	s18 =	sadd.s32 $0x40, s18;
	[tilespmem:s15+$0x1830 ss:$0x81] =	vst.msk $0xffff, v3  }
.Ltmp4:
0x3a: {  	_ = 	snop;
	(pc) =	sbr.rel .LBB1_4-.Ltmp4, $1  }
0x3b: {  	_ =	sdelay $0x3  }
.LBB1_6:
0x3c: {  	_ =	sfence.sel $0x180000  }
0x3d: {  	s2 =	simm.s32 $0x1;
	[bflag:$0x0] =	sbarrier.arrive $0xFFFF  }
0x3e: {  	s31 =	simm.s32 $0x2;
	[sflag:s2] =	ssyncpa.u1 $0x1  }
0x3f: {  	[sflag:s31] =	ssyncpa.u1 $0x1  }
0x40: {  	p0 =	sne.s32 s0, $0x0;
	_ =	strace $0x9000004A  }
0x41: {  	s0 =	sadd.s32 @!p0 $0x100000, s1;
	[bflag:$0x2] =	sbarrier.arrive $0xFFFF  }
0x42: {  	[sflag:s0] =	ssyncadd.tile.s32 @!p0 $0x1;
	_ =	shalt  }
.Lfunc_end1:
_tile_overlayer_lowered:
.L_overlay_start_2:
0x43: {  	(tag) =	ssettag $0x2  }
0x44: {  	s0 =	rddreg [dreg:$0x0];
	s2 =	stileid.u32  }
0x45: {  	s1 =	rddreg [dreg:$0x1];
	p0 =	sne.s32 s2, $0x0  }
0x46: {  	s3 =	rddreg [dreg:$0x2];
	[bflag:$0x3] =	sbarrier.arrive $0xFFFF;
	s2 =	simm.s32 @!p0 $0x1C01  }
0x47: {  	[timem:s3], [sflag:s2] =	dma.local @!p0 [hbm:s0], s1  }
0x48: {  	s0 =	simm.s32 @!p0 $0x1  }
0x49: {  	_ =	swait.ge @!p0 [sflag:s0], s1  }
0x4a: {  	s1 =	ssub.s32 @!p0 $0x0, s1;
	[sflag:s0] =	ssyncset.done @!p0 $0x0  }
0x4b: {  	[sflag:s0] =	ssyncadd.s32 @!p0 s1  }
0x4c: {  	[bflag:$0x3] =	sbarrier.arrive $0xFFFF  }
0x4d: {  	_ =	shalt  }

</sc_bundles>
